<compile_context>
chip_gen: v7x
topology: tpu7x:2x2x1
jax: 0.10.2.dev20260603
libtpu: 0.0.44.dev20260713+nightly
codegen_flags: <defaults>
</compile_context>

<pallas_src>
import functools
import math

import jax
import jax.numpy as jnp
from jax import lax
from jax.experimental import pallas as pl
from jax.experimental.pallas import tpu as pltpu
from jax.experimental.pallas import tpu_sc as plsc

D_MODEL = 1024
SCALE = math.sqrt(D_MODEL)
L = 16
NBUF = 7
LEAD = 4


@functools.cache
def _make_kernel(B: int, D: int):
    NC, NS = 2, 16
    NW = NC * NS
    assert B % NW == 0
    b_per_w = B // NW
    C = 16
    n_chunks = b_per_w // C
    mesh = plsc.VectorSubcoreMesh(core_axis_name="c", subcore_axis_name="s")

    @functools.partial(
        pl.kernel,
        out_type=jax.ShapeDtypeStruct((B, D), jnp.float32),
        mesh=mesh,
        scratch_types=[
            pltpu.VMEM((b_per_w,), jnp.int32),
            pltpu.VMEM((NBUF, C, D), jnp.float32),
            pltpu.SemaphoreType.DMA((NBUF,)),
            pltpu.SemaphoreType.DMA((NBUF,)),
        ],
    )
    def emb_kernel(table_hbm, idx_hbm, out_hbm, idx_v, bufs, in_sems, out_sems):
        wid = lax.axis_index("s") * NC + lax.axis_index("c")
        base = wid * b_per_w
        pltpu.sync_copy(idx_hbm.at[pl.ds(base, b_per_w)], idx_v)

        def start_in(g, b):
            pltpu.async_copy(
                table_hbm.at[idx_v.at[pl.ds(g * C, C)]], bufs.at[b], in_sems.at[b]
            )

        def wait_in(b):
            pltpu.make_async_copy(
                table_hbm.at[pl.ds(0, C)], bufs.at[b], in_sems.at[b]
            ).wait()

        def start_out(g, b):
            pltpu.async_copy(
                bufs.at[b], out_hbm.at[pl.ds(base + g * C, C)], out_sems.at[b]
            )

        def wait_out(b):
            pltpu.make_async_copy(
                bufs.at[b], out_hbm.at[pl.ds(base, C)], out_sems.at[b]
            ).wait()

        for g in range(LEAD):
            start_in(g, g % NBUF)

        def body(g, _):
            b = lax.rem(g, NBUF)
            ga = g + LEAD
            ba = lax.rem(ga, NBUF)

            @pl.when(ga < n_chunks)
            def _():
                @pl.when(ga >= NBUF)
                def _():
                    wait_out(ba)
                start_in(ga, ba)

            wait_in(b)

            def scale_row(r, _):
                for j in range(D // L):
                    sl = pl.ds(j * L, L)
                    bufs[b, r, sl] = bufs[b, r, sl] * SCALE
                return 0

            lax.fori_loop(0, C, scale_row, 0)
            start_out(g, b)
            return 0

        lax.fori_loop(0, n_chunks, body, 0)

        for g in range(n_chunks - NBUF, n_chunks):
            wait_out(g % NBUF)

    return emb_kernel


def kernel(x, table):
    B = x.shape[0] * x.shape[1]
    D = table.shape[1]
    idx = x.reshape(B).astype(jnp.int32)
    out = _make_kernel(B, D)(table, idx)
    return out.reshape(x.shape[0], x.shape[1], D)

# --- scband reference (transcript-rebuilt; emitter-appended) ---
"""Pipeline reference for scband-input-embedding-64665027609081 (READ-ONLY COPY).

The authoritative reference and input builder live on the scoring server;
editing this copy changes nothing except your own understanding.
"""

import jax, jax.numpy as jnp
import numpy as np
import math

D_MODEL = 1024
VOCAB = 100000

def setup_inputs(seed: int = 0) -> dict:
    key = jax.random.key(seed)
    k1, k2 = jax.random.split(key)
    x = jax.random.randint(k1, (4, 4096), 0, VOCAB, dtype=jnp.int64) if jax.config.jax_enable_x64 else jax.random.randint(k1, (4, 4096), 0, VOCAB, dtype=jnp.int32)
    # embedding table, same init scale as torch.nn.Embedding (N(0,1))
    table = jax.random.normal(k2, (VOCAB, D_MODEL), dtype=jnp.float32)
    return {"x": x, "table": table}

def reference(x, table):
    # faithful to InputEmbedding.forward: embedding lookup scaled by sqrt(d_model)
    emb = jnp.take(table, x, axis=0)
    return emb * math.sqrt(D_MODEL)

if __name__ == "__main__":
    import jax
    _d = setup_inputs()
    print(jax.jit(kernel)(*tuple(_d.values())))

</pallas_src>

<mosaic_0001>
#map = affine_map<(d0, d1) -> (0, 0)>
#map1 = affine_map<(d0, d1) -> (0)>
module attributes {stable_mosaic.version = 14 : i64} {
  func.func @emb_kernel(%arg0: i32, %arg1: i32, %arg2: memref<100000x1024xf32, #tpu.memory_space<hbm>>, %arg3: memref<16384xi32, #tpu.memory_space<hbm>>, %arg4: memref<16384x1024xf32, #tpu.memory_space<hbm>>, %arg5: memref<512xi32, #tpu.memory_space<vmem>>, %arg6: memref<7x16x1024xf32, #tpu.memory_space<vmem>>, %arg7: memref<7x!tpu.dma_semaphore, #tpu.memory_space<semaphore_mem>>, %arg8: memref<7x!tpu.dma_semaphore, #tpu.memory_space<semaphore_mem>>) attributes {dimension_semantics = [#tpu.dimension_semantics<core_parallel>, #tpu.dimension_semantics<subcore_parallel>], iteration_bounds = array<i64: 2, 16>, scalar_prefetch = 0 : i64, scratch_operands = 4 : i64, tpu.core_type = #tpu.core_type<sc_vector_subcore>, window_params = [{transform_indices = #map}, {transform_indices = #map1}, {transform_indices = #map}]} {
    %mul3A = arith.constant 2 : i32
    %mul3A_0 = arith.muli %arg1, %mul3A : i32
    %add3A = arith.addi %mul3A_0, %arg0 : i32
    %mul3A_1 = arith.constant 512 : i32
    %mul3A_2 = arith.muli %add3A, %mul3A_1 : i32
    "tpu.region"() ({
      %run_scoped3A = tpu.sem_alloc : memref<!tpu.dma_semaphore, #tpu.memory_space<semaphore_mem>>
      %dma_start3A_171 = tpu.memref_slice %arg3[%mul3A_2] : memref<16384xi32, #tpu.memory_space<hbm>> -> memref<512xi32, #tpu.memory_space<hbm>>
      %dma_start3A_172 = tpu.memref_slice %arg3[%mul3A_2] : memref<16384xi32, #tpu.memory_space<hbm>> -> memref<512xi32, #tpu.memory_space<hbm>>
      tpu.enqueue_dma source(%dma_start3A_172 : memref<512xi32, #tpu.memory_space<hbm>>) target(%arg5 : memref<512xi32, #tpu.memory_space<vmem>>) target_semaphore(%run_scoped3A : memref<!tpu.dma_semaphore, #tpu.memory_space<semaphore_mem>>)
      %dma_wait3A_173 = tpu.memref_slice %arg3[%mul3A_2] : memref<16384xi32, #tpu.memory_space<hbm>> -> memref<512xi32, #tpu.memory_space<hbm>>
      %dma_wait3A_174 = tpu.memref_slice %arg3[%mul3A_2] : memref<16384xi32, #tpu.memory_space<hbm>> -> memref<512xi32, #tpu.memory_space<hbm>>
      tpu.wait_dma2 semaphore(%run_scoped3A : memref<!tpu.dma_semaphore, #tpu.memory_space<semaphore_mem>>) src(%dma_wait3A_174 : memref<512xi32, #tpu.memory_space<hbm>>) dst(%arg5 : memref<512xi32, #tpu.memory_space<vmem>>)
      tpu.yield
    }) : () -> ()
    %dma_start3A = arith.constant 0 : i32
    %dma_start3A_3 = arith.constant 0 : i32
    %dma_start3A_4 = arith.constant 0 : i32
    %dma_start3A_5 = arith.constant 0 : i32
    %dma_start3A_6 = tpu.memref_slice %arg6[%dma_start3A, %dma_start3A_4, %dma_start3A_5] : memref<7x16x1024xf32, #tpu.memory_space<vmem>> -> memref<1x16x1024xf32, #tpu.memory_space<vmem>>
    %dma_start3A_7 = tpu.memref_squeeze %dma_start3A_6 : memref<1x16x1024xf32, #tpu.memory_space<vmem>> -> memref<16x1024xf32, #tpu.memory_space<vmem>>
    %dma_start3A_8 = arith.constant 0 : i32
    %dma_start3A_9 = tpu.memref_slice %arg5[%dma_start3A_8] : memref<512xi32, #tpu.memory_space<vmem>> -> memref<16xi32, #tpu.memory_space<vmem>>
    %dma_start3A_10 = arith.constant 0 : i32
    %dma_start3A_11 = arith.constant 0 : i32
    %dma_start3A_12 = tpu.memref_slice %arg2[%dma_start3A_10, %dma_start3A_11] : memref<100000x1024xf32, #tpu.memory_space<hbm>> -> memref<100000x1024xf32, #tpu.memory_space<hbm>>
    %dma_start3A_13 = tpu.memref_slice %arg7[%dma_start3A_3] : memref<7x!tpu.dma_semaphore, #tpu.memory_space<semaphore_mem>> -> memref<1x!tpu.dma_semaphore, #tpu.memory_space<semaphore_mem>>
    %dma_start3A_14 = tpu.memref_squeeze %dma_start3A_13 : memref<1x!tpu.dma_semaphore, #tpu.memory_space<semaphore_mem>> -> memref<!tpu.dma_semaphore, #tpu.memory_space<semaphore_mem>>
    tpu.enqueue_indirect_dma source(%dma_start3A_12 : memref<100000x1024xf32, #tpu.memory_space<hbm>>) target(%dma_start3A_7 : memref<16x1024xf32, #tpu.memory_space<vmem>>) offsets(%dma_start3A_9 : memref<16xi32, #tpu.memory_space<vmem>>) semaphore(%dma_start3A_14 : memref<!tpu.dma_semaphore, #tpu.memory_space<semaphore_mem>>)
    %dma_start3A_15 = arith.constant 1 : i32
    %dma_start3A_16 = arith.constant 1 : i32
    %dma_start3A_17 = arith.constant 0 : i32
    %dma_start3A_18 = arith.constant 0 : i32
    %dma_start3A_19 = tpu.memref_slice %arg6[%dma_start3A_15, %dma_start3A_17, %dma_start3A_18] : memref<7x16x1024xf32, #tpu.memory_space<vmem>> -> memref<1x16x1024xf32, #tpu.memory_space<vmem>>
    %dma_start3A_20 = tpu.memref_squeeze %dma_start3A_19 : memref<1x16x1024xf32, #tpu.memory_space<vmem>> -> memref<16x1024xf32, #tpu.memory_space<vmem>>
    %dma_start3A_21 = arith.constant 16 : i32
    %dma_start3A_22 = tpu.memref_slice %arg5[%dma_start3A_21] : memref<512xi32, #tpu.memory_space<vmem>> -> memref<16xi32, #tpu.memory_space<vmem>>
    %dma_start3A_23 = arith.constant 0 : i32
    %dma_start3A_24 = arith.constant 0 : i32
    %dma_start3A_25 = tpu.memref_slice %arg2[%dma_start3A_23, %dma_start3A_24] : memref<100000x1024xf32, #tpu.memory_space<hbm>> -> memref<100000x1024xf32, #tpu.memory_space<hbm>>
    %dma_start3A_26 = tpu.memref_slice %arg7[%dma_start3A_16] : memref<7x!tpu.dma_semaphore, #tpu.memory_space<semaphore_mem>> -> memref<1x!tpu.dma_semaphore, #tpu.memory_space<semaphore_mem>>
    %dma_start3A_27 = tpu.memref_squeeze %dma_start3A_26 : memref<1x!tpu.dma_semaphore, #tpu.memory_space<semaphore_mem>> -> memref<!tpu.dma_semaphore, #tpu.memory_space<semaphore_mem>>
    tpu.enqueue_indirect_dma source(%dma_start3A_25 : memref<100000x1024xf32, #tpu.memory_space<hbm>>) target(%dma_start3A_20 : memref<16x1024xf32, #tpu.memory_space<vmem>>) offsets(%dma_start3A_22 : memref<16xi32, #tpu.memory_space<vmem>>) semaphore(%dma_start3A_27 : memref<!tpu.dma_semaphore, #tpu.memory_space<semaphore_mem>>)
    %dma_start3A_28 = arith.constant 2 : i32
    %dma_start3A_29 = arith.constant 2 : i32
    %dma_start3A_30 = arith.constant 0 : i32
    %dma_start3A_31 = arith.constant 0 : i32
    %dma_start3A_32 = tpu.memref_slice %arg6[%dma_start3A_28, %dma_start3A_30, %dma_start3A_31] : memref<7x16x1024xf32, #tpu.memory_space<vmem>> -> memref<1x16x1024xf32, #tpu.memory_space<vmem>>
    %dma_start3A_33 = tpu.memref_squeeze %dma_start3A_32 : memref<1x16x1024xf32, #tpu.memory_space<vmem>> -> memref<16x1024xf32, #tpu.memory_space<vmem>>
    %dma_start3A_34 = arith.constant 32 : i32
    %dma_start3A_35 = tpu.memref_slice %arg5[%dma_start3A_34] : memref<512xi32, #tpu.memory_space<vmem>> -> memref<16xi32, #tpu.memory_space<vmem>>
    %dma_start3A_36 = arith.constant 0 : i32
    %dma_start3A_37 = arith.constant 0 : i32
    %dma_start3A_38 = tpu.memref_slice %arg2[%dma_start3A_36, %dma_start3A_37] : memref<100000x1024xf32, #tpu.memory_space<hbm>> -> memref<100000x1024xf32, #tpu.memory_space<hbm>>
    %dma_start3A_39 = tpu.memref_slice %arg7[%dma_start3A_29] : memref<7x!tpu.dma_semaphore, #tpu.memory_space<semaphore_mem>> -> memref<1x!tpu.dma_semaphore, #tpu.memory_space<semaphore_mem>>
    %dma_start3A_40 = tpu.memref_squeeze %dma_start3A_39 : memref<1x!tpu.dma_semaphore, #tpu.memory_space<semaphore_mem>> -> memref<!tpu.dma_semaphore, #tpu.memory_space<semaphore_mem>>
    tpu.enqueue_indirect_dma source(%dma_start3A_38 : memref<100000x1024xf32, #tpu.memory_space<hbm>>) target(%dma_start3A_33 : memref<16x1024xf32, #tpu.memory_space<vmem>>) offsets(%dma_start3A_35 : memref<16xi32, #tpu.memory_space<vmem>>) semaphore(%dma_start3A_40 : memref<!tpu.dma_semaphore, #tpu.memory_space<semaphore_mem>>)
    %dma_start3A_41 = arith.constant 3 : i32
    %dma_start3A_42 = arith.constant 3 : i32
    %dma_start3A_43 = arith.constant 0 : i32
    %dma_start3A_44 = arith.constant 0 : i32
    %dma_start3A_45 = tpu.memref_slice %arg6[%dma_start3A_41, %dma_start3A_43, %dma_start3A_44] : memref<7x16x1024xf32, #tpu.memory_space<vmem>> -> memref<1x16x1024xf32, #tpu.memory_space<vmem>>
    %dma_start3A_46 = tpu.memref_squeeze %dma_start3A_45 : memref<1x16x1024xf32, #tpu.memory_space<vmem>> -> memref<16x1024xf32, #tpu.memory_space<vmem>>
    %dma_start3A_47 = arith.constant 48 : i32
    %dma_start3A_48 = tpu.memref_slice %arg5[%dma_start3A_47] : memref<512xi32, #tpu.memory_space<vmem>> -> memref<16xi32, #tpu.memory_space<vmem>>
    %dma_start3A_49 = arith.constant 0 : i32
    %dma_start3A_50 = arith.constant 0 : i32
    %dma_start3A_51 = tpu.memref_slice %arg2[%dma_start3A_49, %dma_start3A_50] : memref<100000x1024xf32, #tpu.memory_space<hbm>> -> memref<100000x1024xf32, #tpu.memory_space<hbm>>
    %dma_start3A_52 = tpu.memref_slice %arg7[%dma_start3A_42] : memref<7x!tpu.dma_semaphore, #tpu.memory_space<semaphore_mem>> -> memref<1x!tpu.dma_semaphore, #tpu.memory_space<semaphore_mem>>
    %dma_start3A_53 = tpu.memref_squeeze %dma_start3A_52 : memref<1x!tpu.dma_semaphore, #tpu.memory_space<semaphore_mem>> -> memref<!tpu.dma_semaphore, #tpu.memory_space<semaphore_mem>>
    tpu.enqueue_indirect_dma source(%dma_start3A_51 : memref<100000x1024xf32, #tpu.memory_space<hbm>>) target(%dma_start3A_46 : memref<16x1024xf32, #tpu.memory_space<vmem>>) offsets(%dma_start3A_48 : memref<16xi32, #tpu.memory_space<vmem>>) semaphore(%dma_start3A_53 : memref<!tpu.dma_semaphore, #tpu.memory_space<semaphore_mem>>)
    %scan3A = arith.constant 0 : i32
    %scan3A_54 = arith.constant 0 : i32
    %scan3A_55 = arith.constant 32 : i32
    %scan3A_56 = arith.addi %scan3A_54, %scan3A_55 : i32
    %scan3A_57 = arith.constant 1 : i32
    %scan3A_58 = scf.for %scan3A_171 = %scan3A_54 to %scan3A_56 step %scan3A_57 iter_args(%scan3A_172 = %scan3A) -> (i32)  : i32 {
      %rem3A = arith.constant 7 : i32
      %rem3A_173 = arith.remsi %scan3A_171, %rem3A : i32
      %add3A_174 = arith.constant 4 : i32
      %add3A_175 = arith.addi %scan3A_171, %add3A_174 : i32
      %rem3A_176 = arith.constant 7 : i32
      %rem3A_177 = arith.remsi %add3A_175, %rem3A_176 : i32
      %lt3A = arith.constant 32 : i32
      %lt3A_178 = arith.cmpi slt, %add3A_175, %lt3A : i32
      %convert_element_type3A = arith.extui %lt3A_178 : i1 to i32
      %cond3A = arith.constant 0 : i32
      %cond3A_179 = arith.cmpi ne, %convert_element_type3A, %cond3A : i32
      scf.if %cond3A_179 {
        %ge3A = arith.constant 7 : i32
        %ge3A_221 = arith.cmpi sge, %add3A_175, %ge3A : i32
        %convert_element_type3A_222 = arith.extui %ge3A_221 : i1 to i32
        %cond3A_223 = arith.constant 0 : i32
        %cond3A_224 = arith.cmpi ne, %convert_element_type3A_222, %cond3A_223 : i32
        scf.if %cond3A_224 {
          %dma_wait3A_237 = arith.constant 0 : i32
          %dma_wait3A_238 = arith.constant 0 : i32
          %dma_wait3A_239 = tpu.memref_slice %arg6[%rem3A_177, %dma_wait3A_237, %dma_wait3A_238] : memref<7x16x1024xf32, #tpu.memory_space<vmem>> -> memref<1x16x1024xf32, #tpu.memory_space<vmem>>
          %dma_wait3A_240 = tpu.memref_squeeze %dma_wait3A_239 : memref<1x16x1024xf32, #tpu.memory_space<vmem>> -> memref<16x1024xf32, #tpu.memory_space<vmem>>
          %dma_wait3A_241 = arith.constant 0 : i32
          %dma_wait3A_242 = tpu.memref_slice %arg4[%mul3A_2, %dma_wait3A_241] : memref<16384x1024xf32, #tpu.memory_space<hbm>> -> memref<16x1024xf32, #tpu.memory_space<hbm>>
          %dma_wait3A_243 = tpu.memref_slice %arg8[%rem3A_177] : memref<7x!tpu.dma_semaphore, #tpu.memory_space<semaphore_mem>> -> memref<1x!tpu.dma_semaphore, #tpu.memory_space<semaphore_mem>>
          %dma_wait3A_244 = tpu.memref_squeeze %dma_wait3A_243 : memref<1x!tpu.dma_semaphore, #tpu.memory_space<semaphore_mem>> -> memref<!tpu.dma_semaphore, #tpu.memory_space<semaphore_mem>>
          %dma_wait3A_245 = arith.constant 0 : i32
          %dma_wait3A_246 = tpu.memref_slice %arg4[%mul3A_2, %dma_wait3A_245] : memref<16384x1024xf32, #tpu.memory_space<hbm>> -> memref<16x1024xf32, #tpu.memory_space<hbm>>
          %dma_wait3A_247 = arith.constant 0 : i32
          %dma_wait3A_248 = arith.constant 0 : i32
          %dma_wait3A_249 = tpu.memref_slice %arg6[%rem3A_177, %dma_wait3A_247, %dma_wait3A_248] : memref<7x16x1024xf32, #tpu.memory_space<vmem>> -> memref<1x16x1024xf32, #tpu.memory_space<vmem>>
          %dma_wait3A_250 = tpu.memref_squeeze %dma_wait3A_249 : memref<1x16x1024xf32, #tpu.memory_space<vmem>> -> memref<16x1024xf32, #tpu.memory_space<vmem>>
          tpu.wait_dma2 semaphore(%dma_wait3A_244 : memref<!tpu.dma_semaphore, #tpu.memory_space<semaphore_mem>>) src(%dma_wait3A_250 : memref<16x1024xf32, #tpu.memory_space<vmem>>) dst(%dma_wait3A_246 : memref<16x1024xf32, #tpu.memory_space<hbm>>)
        } else {
        }
        %mul3A_225 = arith.constant 16 : i32
        %mul3A_226 = arith.muli %add3A_175, %mul3A_225 : i32
        %dma_start3A_227 = arith.constant 0 : i32
        %dma_start3A_228 = arith.constant 0 : i32
        %dma_start3A_229 = tpu.memref_slice %arg6[%rem3A_177, %dma_start3A_227, %dma_start3A_228] : memref<7x16x1024xf32, #tpu.memory_space<vmem>> -> memref<1x16x1024xf32, #tpu.memory_space<vmem>>
        %dma_start3A_230 = tpu.memref_squeeze %dma_start3A_229 : memref<1x16x1024xf32, #tpu.memory_space<vmem>> -> memref<16x1024xf32, #tpu.memory_space<vmem>>
        %dma_start3A_231 = tpu.memref_slice %arg5[%mul3A_226] : memref<512xi32, #tpu.memory_space<vmem>> -> memref<16xi32, #tpu.memory_space<vmem>>
        %dma_start3A_232 = arith.constant 0 : i32
        %dma_start3A_233 = arith.constant 0 : i32
        %dma_start3A_234 = tpu.memref_slice %arg2[%dma_start3A_232, %dma_start3A_233] : memref<100000x1024xf32, #tpu.memory_space<hbm>> -> memref<100000x1024xf32, #tpu.memory_space<hbm>>
        %dma_start3A_235 = tpu.memref_slice %arg7[%rem3A_177] : memref<7x!tpu.dma_semaphore, #tpu.memory_space<semaphore_mem>> -> memref<1x!tpu.dma_semaphore, #tpu.memory_space<semaphore_mem>>
        %dma_start3A_236 = tpu.memref_squeeze %dma_start3A_235 : memref<1x!tpu.dma_semaphore, #tpu.memory_space<semaphore_mem>> -> memref<!tpu.dma_semaphore, #tpu.memory_space<semaphore_mem>>
        tpu.enqueue_indirect_dma source(%dma_start3A_234 : memref<100000x1024xf32, #tpu.memory_space<hbm>>) target(%dma_start3A_230 : memref<16x1024xf32, #tpu.memory_space<vmem>>) offsets(%dma_start3A_231 : memref<16xi32, #tpu.memory_space<vmem>>) semaphore(%dma_start3A_236 : memref<!tpu.dma_semaphore, #tpu.memory_space<semaphore_mem>>)
      } else {
      }
      %dma_wait3A_180 = arith.constant 0 : i32
      %dma_wait3A_181 = arith.constant 0 : i32
      %dma_wait3A_182 = tpu.memref_slice %arg6[%rem3A_173, %dma_wait3A_180, %dma_wait3A_181] : memref<7x16x1024xf32, #tpu.memory_space<vmem>> -> memref<1x16x1024xf32, #tpu.memory_space<vmem>>
      %dma_wait3A_183 = tpu.memref_squeeze %dma_wait3A_182 : memref<1x16x1024xf32, #tpu.memory_space<vmem>> -> memref<16x1024xf32, #tpu.memory_space<vmem>>
      %dma_wait3A_184 = arith.constant 0 : i32
      %dma_wait3A_185 = arith.constant 0 : i32
      %dma_wait3A_186 = tpu.memref_slice %arg2[%dma_wait3A_184, %dma_wait3A_185] : memref<100000x1024xf32, #tpu.memory_space<hbm>> -> memref<16x1024xf32, #tpu.memory_space<hbm>>
      %dma_wait3A_187 = tpu.memref_slice %arg7[%rem3A_173] : memref<7x!tpu.dma_semaphore, #tpu.memory_space<semaphore_mem>> -> memref<1x!tpu.dma_semaphore, #tpu.memory_space<semaphore_mem>>
      %dma_wait3A_188 = tpu.memref_squeeze %dma_wait3A_187 : memref<1x!tpu.dma_semaphore, #tpu.memory_space<semaphore_mem>> -> memref<!tpu.dma_semaphore, #tpu.memory_space<semaphore_mem>>
      %dma_wait3A_189 = arith.constant 0 : i32
      %dma_wait3A_190 = arith.constant 0 : i32
      %dma_wait3A_191 = tpu.memref_slice %arg6[%rem3A_173, %dma_wait3A_189, %dma_wait3A_190] : memref<7x16x1024xf32, #tpu.memory_space<vmem>> -> memref<1x16x1024xf32, #tpu.memory_space<vmem>>
      %dma_wait3A_192 = tpu.memref_squeeze %dma_wait3A_191 : memref<1x16x1024xf32, #tpu.memory_space<vmem>> -> memref<16x1024xf32, #tpu.memory_space<vmem>>
      %dma_wait3A_193 = arith.constant 0 : i32
      %dma_wait3A_194 = arith.constant 0 : i32
      %dma_wait3A_195 = tpu.memref_slice %arg2[%dma_wait3A_193, %dma_wait3A_194] : memref<100000x1024xf32, #tpu.memory_space<hbm>> -> memref<16x1024xf32, #tpu.memory_space<hbm>>
      tpu.wait_dma2 semaphore(%dma_wait3A_188 : memref<!tpu.dma_semaphore, #tpu.memory_space<semaphore_mem>>) src(%dma_wait3A_195 : memref<16x1024xf32, #tpu.memory_space<hbm>>) dst(%dma_wait3A_192 : memref<16x1024xf32, #tpu.memory_space<vmem>>)
      %scan3A_196 = arith.constant 0 : i32
      %scan3A_197 = arith.constant 0 : i32
      %scan3A_198 = arith.constant 16 : i32
      %scan3A_199 = arith.addi %scan3A_197, %scan3A_198 : i32
      %scan3A_200 = arith.constant 1 : i32
      %scan3A_201 = scf.for %scan3A_221 = %scan3A_197 to %scan3A_199 step %scan3A_200 iter_args(%scan3A_222 = %scan3A_196) -> (i32)  : i32 {
        %get3A = arith.index_cast %rem3A_173 : i32 to index
        %get3A_223 = arith.index_cast %scan3A_221 : i32 to index
        %get3A_224 = arith.constant 0 : index
        %get3A_225 = tpu.vector_load %arg6[%get3A, %get3A_223, %get3A_224] {strides = array<i32>} : memref<7x16x1024xf32, #tpu.memory_space<vmem>>, vector<1x1x16xf32>,
        %get3A_226 = vector.shape_cast %get3A_225 : vector<1x1x16xf32> to vector<16xf32>
        %mul3A_227 = arith.constant 3.200000e+01 : f32
        %mul3A_228 = vector.broadcast %mul3A_227 : f32 to vector<16xf32>
        %mul3A_229 = arith.mulf %get3A_226, %mul3A_228 : vector<16xf32>
        %swap3A = arith.index_cast %rem3A_173 : i32 to index
        %swap3A_230 = arith.index_cast %scan3A_221 : i32 to index
        %swap3A_231 = arith.constant 0 : index
        %swap3A_232 = tpu.vector_load %arg6[%swap3A, %swap3A_230, %swap3A_231] {strides = array<i32>} : memref<7x16x1024xf32, #tpu.memory_space<vmem>>, vector<1x1x16xf32>,
        %swap3A_233 = vector.shape_cast %swap3A_232 : vector<1x1x16xf32> to vector<16xf32>
        %swap3A_234 = vector.shape_cast %mul3A_229 : vector<16xf32> to vector<1x1x16xf32>
        tpu.vector_store %arg6[%swap3A, %swap3A_230, %swap3A_231], %swap3A_234 {strides = array<i32>} : memref<7x16x1024xf32, #tpu.memory_space<vmem>>, vector<1x1x16xf32>,
        %get3A_235 = arith.index_cast %rem3A_173 : i32 to index
        %get3A_236 = arith.index_cast %scan3A_221 : i32 to index
        %get3A_237 = arith.constant 16 : index
        %get3A_238 = tpu.vector_load %arg6[%get3A_235, %get3A_236, %get3A_237] {strides = array<i32>} : memref<7x16x1024xf32, #tpu.memory_space<vmem>>, vector<1x1x16xf32>,
        %get3A_239 = vector.shape_cast %get3A_238 : vector<1x1x16xf32> to vector<16xf32>
        %mul3A_240 = arith.constant 3.200000e+01 : f32
        %mul3A_241 = vector.broadcast %mul3A_240 : f32 to vector<16xf32>
        %mul3A_242 = arith.mulf %get3A_239, %mul3A_241 : vector<16xf32>
        %swap3A_243 = arith.index_cast %rem3A_173 : i32 to index
        %swap3A_244 = arith.index_cast %scan3A_221 : i32 to index
        %swap3A_245 = arith.constant 16 : index
        %swap3A_246 = tpu.vector_load %arg6[%swap3A_243, %swap3A_244, %swap3A_245] {strides = array<i32>} : memref<7x16x1024xf32, #tpu.memory_space<vmem>>, vector<1x1x16xf32>,
        %swap3A_247 = vector.shape_cast %swap3A_246 : vector<1x1x16xf32> to vector<16xf32>
        %swap3A_248 = vector.shape_cast %mul3A_242 : vector<16xf32> to vector<1x1x16xf32>
        tpu.vector_store %arg6[%swap3A_243, %swap3A_244, %swap3A_245], %swap3A_248 {strides = array<i32>} : memref<7x16x1024xf32, #tpu.memory_space<vmem>>, vector<1x1x16xf32>,
        %get3A_249 = arith.index_cast %rem3A_173 : i32 to index
        %get3A_250 = arith.index_cast %scan3A_221 : i32 to index
        %get3A_251 = arith.constant 32 : index
        %get3A_252 = tpu.vector_load %arg6[%get3A_249, %get3A_250, %get3A_251] {strides = array<i32>} : memref<7x16x1024xf32, #tpu.memory_space<vmem>>, vector<1x1x16xf32>,
        %get3A_253 = vector.shape_cast %get3A_252 : vector<1x1x16xf32> to vector<16xf32>
        %mul3A_254 = arith.constant 3.200000e+01 : f32
        %mul3A_255 = vector.broadcast %mul3A_254 : f32 to vector<16xf32>
        %mul3A_256 = arith.mulf %get3A_253, %mul3A_255 : vector<16xf32>
        %swap3A_257 = arith.index_cast %rem3A_173 : i32 to index
        %swap3A_258 = arith.index_cast %scan3A_221 : i32 to index
        %swap3A_259 = arith.constant 32 : index
        %swap3A_260 = tpu.vector_load %arg6[%swap3A_257, %swap3A_258, %swap3A_259] {strides = array<i32>} : memref<7x16x1024xf32, #tpu.memory_space<vmem>>, vector<1x1x16xf32>,
        %swap3A_261 = vector.shape_cast %swap3A_260 : vector<1x1x16xf32> to vector<16xf32>
        %swap3A_262 = vector.shape_cast %mul3A_256 : vector<16xf32> to vector<1x1x16xf32>
        tpu.vector_store %arg6[%swap3A_257, %swap3A_258, %swap3A_259], %swap3A_262 {strides = array<i32>} : memref<7x16x1024xf32, #tpu.memory_space<vmem>>, vector<1x1x16xf32>,
        %get3A_263 = arith.index_cast %rem3A_173 : i32 to index
        %get3A_264 = arith.index_cast %scan3A_221 : i32 to index
        %get3A_265 = arith.constant 48 : index
        %get3A_266 = tpu.vector_load %arg6[%get3A_263, %get3A_264, %get3A_265] {strides = array<i32>} : memref<7x16x1024xf32, #tpu.memory_space<vmem>>, vector<1x1x16xf32>,
        %get3A_267 = vector.shape_cast %get3A_266 : vector<1x1x16xf32> to vector<16xf32>
        %mul3A_268 = arith.constant 3.200000e+01 : f32
        %mul3A_269 = vector.broadcast %mul3A_268 : f32 to vector<16xf32>
        %mul3A_270 = arith.mulf %get3A_267, %mul3A_269 : vector<16xf32>
        %swap3A_271 = arith.index_cast %rem3A_173 : i32 to index
        %swap3A_272 = arith.index_cast %scan3A_221 : i32 to index
        %swap3A_273 = arith.constant 48 : index
        %swap3A_274 = tpu.vector_load %arg6[%swap3A_271, %swap3A_272, %swap3A_273] {strides = array<i32>} : memref<7x16x1024xf32, #tpu.memory_space<vmem>>, vector<1x1x16xf32>,
        %swap3A_275 = vector.shape_cast %swap3A_274 : vector<1x1x16xf32> to vector<16xf32>
        %swap3A_276 = vector.shape_cast %mul3A_270 : vector<16xf32> to vector<1x1x16xf32>
        tpu.vector_store %arg6[%swap3A_271, %swap3A_272, %swap3A_273], %swap3A_276 {strides = array<i32>} : memref<7x16x1024xf32, #tpu.memory_space<vmem>>, vector<1x1x16xf32>,
        %get3A_277 = arith.index_cast %rem3A_173 : i32 to index
        %get3A_278 = arith.index_cast %scan3A_221 : i32 to index
        %get3A_279 = arith.constant 64 : index
        %get3A_280 = tpu.vector_load %arg6[%get3A_277, %get3A_278, %get3A_279] {strides = array<i32>} : memref<7x16x1024xf32, #tpu.memory_space<vmem>>, vector<1x1x16xf32>,
        %get3A_281 = vector.shape_cast %get3A_280 : vector<1x1x16xf32> to vector<16xf32>
        %mul3A_282 = arith.constant 3.200000e+01 : f32
        %mul3A_283 = vector.broadcast %mul3A_282 : f32 to vector<16xf32>
        %mul3A_284 = arith.mulf %get3A_281, %mul3A_283 : vector<16xf32>
        %swap3A_285 = arith.index_cast %rem3A_173 : i32 to index
        %swap3A_286 = arith.index_cast %scan3A_221 : i32 to index
        %swap3A_287 = arith.constant 64 : index
        %swap3A_288 = tpu.vector_load %arg6[%swap3A_285, %swap3A_286, %swap3A_287] {strides = array<i32>} : memref<7x16x1024xf32, #tpu.memory_space<vmem>>, vector<1x1x16xf32>,
        %swap3A_289 = vector.shape_cast %swap3A_288 : vector<1x1x16xf32> to vector<16xf32>
        %swap3A_290 = vector.shape_cast %mul3A_284 : vector<16xf32> to vector<1x1x16xf32>
        tpu.vector_store %arg6[%swap3A_285, %swap3A_286, %swap3A_287], %swap3A_290 {strides = array<i32>} : memref<7x16x1024xf32, #tpu.memory_space<vmem>>, vector<1x1x16xf32>,
        %get3A_291 = arith.index_cast %rem3A_173 : i32 to index
        %get3A_292 = arith.index_cast %scan3A_221 : i32 to index
        %get3A_293 = arith.constant 80 : index
        %get3A_294 = tpu.vector_load %arg6[%get3A_291, %get3A_292, %get3A_293] {strides = array<i32>} : memref<7x16x1024xf32, #tpu.memory_space<vmem>>, vector<1x1x16xf32>,
        %get3A_295 = vector.shape_cast %get3A_294 : vector<1x1x16xf32> to vector<16xf32>
        %mul3A_296 = arith.constant 3.200000e+01 : f32
        %mul3A_297 = vector.broadcast %mul3A_296 : f32 to vector<16xf32>
        %mul3A_298 = arith.mulf %get3A_295, %mul3A_297 : vector<16xf32>
        %swap3A_299 = arith.index_cast %rem3A_173 : i32 to index
        %swap3A_300 = arith.index_cast %scan3A_221 : i32 to index
        %swap3A_301 = arith.constant 80 : index
        %swap3A_302 = tpu.vector_load %arg6[%swap3A_299, %swap3A_300, %swap3A_301] {strides = array<i32>} : memref<7x16x1024xf32, #tpu.memory_space<vmem>>, vector<1x1x16xf32>,
        %swap3A_303 = vector.shape_cast %swap3A_302 : vector<1x1x16xf32> to vector<16xf32>
        %swap3A_304 = vector.shape_cast %mul3A_298 : vector<16xf32> to vector<1x1x16xf32>
        tpu.vector_store %arg6[%swap3A_299, %swap3A_300, %swap3A_301], %swap3A_304 {strides = array<i32>} : memref<7x16x1024xf32, #tpu.memory_space<vmem>>, vector<1x1x16xf32>,
        %get3A_305 = arith.index_cast %rem3A_173 : i32 to index
        %get3A_306 = arith.index_cast %scan3A_221 : i32 to index
        %get3A_307 = arith.constant 96 : index
        %get3A_308 = tpu.vector_load %arg6[%get3A_305, %get3A_306, %get3A_307] {strides = array<i32>} : memref<7x16x1024xf32, #tpu.memory_space<vmem>>, vector<1x1x16xf32>,
        %get3A_309 = vector.shape_cast %get3A_308 : vector<1x1x16xf32> to vector<16xf32>
        %mul3A_310 = arith.constant 3.200000e+01 : f32
        %mul3A_311 = vector.broadcast %mul3A_310 : f32 to vector<16xf32>
        %mul3A_312 = arith.mulf %get3A_309, %mul3A_311 : vector<16xf32>
        %swap3A_313 = arith.index_cast %rem3A_173 : i32 to index
        %swap3A_314 = arith.index_cast %scan3A_221 : i32 to index
        %swap3A_315 = arith.constant 96 : index
        %swap3A_316 = tpu.vector_load %arg6[%swap3A_313, %swap3A_314, %swap3A_315] {strides = array<i32>} : memref<7x16x1024xf32, #tpu.memory_space<vmem>>, vector<1x1x16xf32>,
        %swap3A_317 = vector.shape_cast %swap3A_316 : vector<1x1x16xf32> to vector<16xf32>
        %swap3A_318 = vector.shape_cast %mul3A_312 : vector<16xf32> to vector<1x1x16xf32>
        tpu.vector_store %arg6[%swap3A_313, %swap3A_314, %swap3A_315], %swap3A_318 {strides = array<i32>} : memref<7x16x1024xf32, #tpu.memory_space<vmem>>, vector<1x1x16xf32>,
        %get3A_319 = arith.index_cast %rem3A_173 : i32 to index
        %get3A_320 = arith.index_cast %scan3A_221 : i32 to index
        %get3A_321 = arith.constant 112 : index
        %get3A_322 = tpu.vector_load %arg6[%get3A_319, %get3A_320, %get3A_321] {strides = array<i32>} : memref<7x16x1024xf32, #tpu.memory_space<vmem>>, vector<1x1x16xf32>,
        %get3A_323 = vector.shape_cast %get3A_322 : vector<1x1x16xf32> to vector<16xf32>
        %mul3A_324 = arith.constant 3.200000e+01 : f32
        %mul3A_325 = vector.broadcast %mul3A_324 : f32 to vector<16xf32>
        %mul3A_326 = arith.mulf %get3A_323, %mul3A_325 : vector<16xf32>
        %swap3A_327 = arith.index_cast %rem3A_173 : i32 to index
        %swap3A_328 = arith.index_cast %scan3A_221 : i32 to index
        %swap3A_329 = arith.constant 112 : index
        %swap3A_330 = tpu.vector_load %arg6[%swap3A_327, %swap3A_328, %swap3A_329] {strides = array<i32>} : memref<7x16x1024xf32, #tpu.memory_space<vmem>>, vector<1x1x16xf32>,
        %swap3A_331 = vector.shape_cast %swap3A_330 : vector<1x1x16xf32> to vector<16xf32>
        %swap3A_332 = vector.shape_cast %mul3A_326 : vector<16xf32> to vector<1x1x16xf32>
        tpu.vector_store %arg6[%swap3A_327, %swap3A_328, %swap3A_329], %swap3A_332 {strides = array<i32>} : memref<7x16x1024xf32, #tpu.memory_space<vmem>>, vector<1x1x16xf32>,
        %get3A_333 = arith.index_cast %rem3A_173 : i32 to index
        %get3A_334 = arith.index_cast %scan3A_221 : i32 to index
        %get3A_335 = arith.constant 128 : index
        %get3A_336 = tpu.vector_load %arg6[%get3A_333, %get3A_334, %get3A_335] {strides = array<i32>} : memref<7x16x1024xf32, #tpu.memory_space<vmem>>, vector<1x1x16xf32>,
        %get3A_337 = vector.shape_cast %get3A_336 : vector<1x1x16xf32> to vector<16xf32>
        %mul3A_338 = arith.constant 3.200000e+01 : f32
        %mul3A_339 = vector.broadcast %mul3A_338 : f32 to vector<16xf32>
        %mul3A_340 = arith.mulf %get3A_337, %mul3A_339 : vector<16xf32>
        %swap3A_341 = arith.index_cast %rem3A_173 : i32 to index
        %swap3A_342 = arith.index_cast %scan3A_221 : i32 to index
        %swap3A_343 = arith.constant 128 : index
        %swap3A_344 = tpu.vector_load %arg6[%swap3A_341, %swap3A_342, %swap3A_343] {strides = array<i32>} : memref<7x16x1024xf32, #tpu.memory_space<vmem>>, vector<1x1x16xf32>,
        %swap3A_345 = vector.shape_cast %swap3A_344 : vector<1x1x16xf32> to vector<16xf32>
        %swap3A_346 = vector.shape_cast %mul3A_340 : vector<16xf32> to vector<1x1x16xf32>
        tpu.vector_store %arg6[%swap3A_341, %swap3A_342, %swap3A_343], %swap3A_346 {strides = array<i32>} : memref<7x16x1024xf32, #tpu.memory_space<vmem>>, vector<1x1x16xf32>,
        %get3A_347 = arith.index_cast %rem3A_173 : i32 to index
        %get3A_348 = arith.index_cast %scan3A_221 : i32 to index
        %get3A_349 = arith.constant 144 : index
        %get3A_350 = tpu.vector_load %arg6[%get3A_347, %get3A_348, %get3A_349] {strides = array<i32>} : memref<7x16x1024xf32, #tpu.memory_space<vmem>>, vector<1x1x16xf32>,
        %get3A_351 = vector.shape_cast %get3A_350 : vector<1x1x16xf32> to vector<16xf32>
        %mul3A_352 = arith.constant 3.200000e+01 : f32
        %mul3A_353 = vector.broadcast %mul3A_352 : f32 to vector<16xf32>
        %mul3A_354 = arith.mulf %get3A_351, %mul3A_353 : vector<16xf32>
        %swap3A_355 = arith.index_cast %rem3A_173 : i32 to index
        %swap3A_356 = arith.index_cast %scan3A_221 : i32 to index
        %swap3A_357 = arith.constant 144 : index
        %swap3A_358 = tpu.vector_load %arg6[%swap3A_355, %swap3A_356, %swap3A_357] {strides = array<i32>} : memref<7x16x1024xf32, #tpu.memory_space<vmem>>, vector<1x1x16xf32>,
        %swap3A_359 = vector.shape_cast %swap3A_358 : vector<1x1x16xf32> to vector<16xf32>
        %swap3A_360 = vector.shape_cast %mul3A_354 : vector<16xf32> to vector<1x1x16xf32>
        tpu.vector_store %arg6[%swap3A_355, %swap3A_356, %swap3A_357], %swap3A_360 {strides = array<i32>} : memref<7x16x1024xf32, #tpu.memory_space<vmem>>, vector<1x1x16xf32>,
        %get3A_361 = arith.index_cast %rem3A_173 : i32 to index
        %get3A_362 = arith.index_cast %scan3A_221 : i32 to index
        %get3A_363 = arith.constant 160 : index
        %get3A_364 = tpu.vector_load %arg6[%get3A_361, %get3A_362, %get3A_363] {strides = array<i32>} : memref<7x16x1024xf32, #tpu.memory_space<vmem>>, vector<1x1x16xf32>,
        %get3A_365 = vector.shape_cast %get3A_364 : vector<1x1x16xf32> to vector<16xf32>
        %mul3A_366 = arith.constant 3.200000e+01 : f32
        %mul3A_367 = vector.broadcast %mul3A_366 : f32 to vector<16xf32>
        %mul3A_368 = arith.mulf %get3A_365, %mul3A_367 : vector<16xf32>
        %swap3A_369 = arith.index_cast %rem3A_173 : i32 to index
        %swap3A_370 = arith.index_cast %scan3A_221 : i32 to index
        %swap3A_371 = arith.constant 160 : index
        %swap3A_372 = tpu.vector_load %arg6[%swap3A_369, %swap3A_370, %swap3A_371] {strides = array<i32>} : memref<7x16x1024xf32, #tpu.memory_space<vmem>>, vector<1x1x16xf32>,
        %swap3A_373 = vector.shape_cast %swap3A_372 : vector<1x1x16xf32> to vector<16xf32>
        %swap3A_374 = vector.shape_cast %mul3A_368 : vector<16xf32> to vector<1x1x16xf32>
        tpu.vector_store %arg6[%swap3A_369, %swap3A_370, %swap3A_371], %swap3A_374 {strides = array<i32>} : memref<7x16x1024xf32, #tpu.memory_space<vmem>>, vector<1x1x16xf32>,
        %get3A_375 = arith.index_cast %rem3A_173 : i32 to index
        %get3A_376 = arith.index_cast %scan3A_221 : i32 to index
        %get3A_377 = arith.constant 176 : index
        %get3A_378 = tpu.vector_load %arg6[%get3A_375, %get3A_376, %get3A_377] {strides = array<i32>} : memref<7x16x1024xf32, #tpu.memory_space<vmem>>, vector<1x1x16xf32>,
        %get3A_379 = vector.shape_cast %get3A_378 : vector<1x1x16xf32> to vector<16xf32>
        %mul3A_380 = arith.constant 3.200000e+01 : f32
        %mul3A_381 = vector.broadcast %mul3A_380 : f32 to vector<16xf32>
        %mul3A_382 = arith.mulf %get3A_379, %mul3A_381 : vector<16xf32>
        %swap3A_383 = arith.index_cast %rem3A_173 : i32 to index
        %swap3A_384 = arith.index_cast %scan3A_221 : i32 to index
        %swap3A_385 = arith.constant 176 : index
        %swap3A_386 = tpu.vector_load %arg6[%swap3A_383, %swap3A_384, %swap3A_385] {strides = array<i32>} : memref<7x16x1024xf32, #tpu.memory_space<vmem>>, vector<1x1x16xf32>,
        %swap3A_387 = vector.shape_cast %swap3A_386 : vector<1x1x16xf32> to vector<16xf32>
        %swap3A_388 = vector.shape_cast %mul3A_382 : vector<16xf32> to vector<1x1x16xf32>
        tpu.vector_store %arg6[%swap3A_383, %swap3A_384, %swap3A_385], %swap3A_388 {strides = array<i32>} : memref<7x16x1024xf32, #tpu.memory_space<vmem>>, vector<1x1x16xf32>,
        %get3A_389 = arith.index_cast %rem3A_173 : i32 to index
        %get3A_390 = arith.index_cast %scan3A_221 : i32 to index
        %get3A_391 = arith.constant 192 : index
        %get3A_392 = tpu.vector_load %arg6[%get3A_389, %get3A_390, %get3A_391] {strides = array<i32>} : memref<7x16x1024xf32, #tpu.memory_space<vmem>>, vector<1x1x16xf32>,
        %get3A_393 = vector.shape_cast %get3A_392 : vector<1x1x16xf32> to vector<16xf32>
        %mul3A_394 = arith.constant 3.200000e+01 : f32
        %mul3A_395 = vector.broadcast %mul3A_394 : f32 to vector<16xf32>
        %mul3A_396 = arith.mulf %get3A_393, %mul3A_395 : vector<16xf32>
        %swap3A_397 = arith.index_cast %rem3A_173 : i32 to index
        %swap3A_398 = arith.index_cast %scan3A_221 : i32 to index
        %swap3A_399 = arith.constant 192 : index
        %swap3A_400 = tpu.vector_load %arg6[%swap3A_397, %swap3A_398, %swap3A_399] {strides = array<i32>} : memref<7x16x1024xf32, #tpu.memory_space<vmem>>, vector<1x1x16xf32>,
        %swap3A_401 = vector.shape_cast %swap3A_400 : vector<1x1x16xf32> to vector<16xf32>
        %swap3A_402 = vector.shape_cast %mul3A_396 : vector<16xf32> to vector<1x1x16xf32>
        tpu.vector_store %arg6[%swap3A_397, %swap3A_398, %swap3A_399], %swap3A_402 {strides = array<i32>} : memref<7x16x1024xf32, #tpu.memory_space<vmem>>, vector<1x1x16xf32>,
        %get3A_403 = arith.index_cast %rem3A_173 : i32 to index
        %get3A_404 = arith.index_cast %scan3A_221 : i32 to index
        %get3A_405 = arith.constant 208 : index
        %get3A_406 = tpu.vector_load %arg6[%get3A_403, %get3A_404, %get3A_405] {strides = array<i32>} : memref<7x16x1024xf32, #tpu.memory_space<vmem>>, vector<1x1x16xf32>,
        %get3A_407 = vector.shape_cast %get3A_406 : vector<1x1x16xf32> to vector<16xf32>
        %mul3A_408 = arith.constant 3.200000e+01 : f32
        %mul3A_409 = vector.broadcast %mul3A_408 : f32 to vector<16xf32>
        %mul3A_410 = arith.mulf %get3A_407, %mul3A_409 : vector<16xf32>
        %swap3A_411 = arith.index_cast %rem3A_173 : i32 to index
        %swap3A_412 = arith.index_cast %scan3A_221 : i32 to index
        %swap3A_413 = arith.constant 208 : index
        %swap3A_414 = tpu.vector_load %arg6[%swap3A_411, %swap3A_412, %swap3A_413] {strides = array<i32>} : memref<7x16x1024xf32, #tpu.memory_space<vmem>>, vector<1x1x16xf32>,
        %swap3A_415 = vector.shape_cast %swap3A_414 : vector<1x1x16xf32> to vector<16xf32>
        %swap3A_416 = vector.shape_cast %mul3A_410 : vector<16xf32> to vector<1x1x16xf32>
        tpu.vector_store %arg6[%swap3A_411, %swap3A_412, %swap3A_413], %swap3A_416 {strides = array<i32>} : memref<7x16x1024xf32, #tpu.memory_space<vmem>>, vector<1x1x16xf32>,
        %get3A_417 = arith.index_cast %rem3A_173 : i32 to index
        %get3A_418 = arith.index_cast %scan3A_221 : i32 to index
        %get3A_419 = arith.constant 224 : index
        %get3A_420 = tpu.vector_load %arg6[%get3A_417, %get3A_418, %get3A_419] {strides = array<i32>} : memref<7x16x1024xf32, #tpu.memory_space<vmem>>, vector<1x1x16xf32>,
        %get3A_421 = vector.shape_cast %get3A_420 : vector<1x1x16xf32> to vector<16xf32>
        %mul3A_422 = arith.constant 3.200000e+01 : f32
        %mul3A_423 = vector.broadcast %mul3A_422 : f32 to vector<16xf32>
        %mul3A_424 = arith.mulf %get3A_421, %mul3A_423 : vector<16xf32>
        %swap3A_425 = arith.index_cast %rem3A_173 : i32 to index
        %swap3A_426 = arith.index_cast %scan3A_221 : i32 to index
        %swap3A_427 = arith.constant 224 : index
        %swap3A_428 = tpu.vector_load %arg6[%swap3A_425, %swap3A_426, %swap3A_427] {strides = array<i32>} : memref<7x16x1024xf32, #tpu.memory_space<vmem>>, vector<1x1x16xf32>,
        %swap3A_429 = vector.shape_cast %swap3A_428 : vector<1x1x16xf32> to vector<16xf32>
        %swap3A_430 = vector.shape_cast %mul3A_424 : vector<16xf32> to vector<1x1x16xf32>
        tpu.vector_store %arg6[%swap3A_425, %swap3A_426, %swap3A_427], %swap3A_430 {strides = array<i32>} : memref<7x16x1024xf32, #tpu.memory_space<vmem>>, vector<1x1x16xf32>,
        %get3A_431 = arith.index_cast %rem3A_173 : i32 to index
        %get3A_432 = arith.index_cast %scan3A_221 : i32 to index
        %get3A_433 = arith.constant 240 : index
        %get3A_434 = tpu.vector_load %arg6[%get3A_431, %get3A_432, %get3A_433] {strides = array<i32>} : memref<7x16x1024xf32, #tpu.memory_space<vmem>>, vector<1x1x16xf32>,
        %get3A_435 = vector.shape_cast %get3A_434 : vector<1x1x16xf32> to vector<16xf32>
        %mul3A_436 = arith.constant 3.200000e+01 : f32
        %mul3A_437 = vector.broadcast %mul3A_436 : f32 to vector<16xf32>
        %mul3A_438 = arith.mulf %get3A_435, %mul3A_437 : vector<16xf32>
        %swap3A_439 = arith.index_cast %rem3A_173 : i32 to index
        %swap3A_440 = arith.index_cast %scan3A_221 : i32 to index
        %swap3A_441 = arith.constant 240 : index
        %swap3A_442 = tpu.vector_load %arg6[%swap3A_439, %swap3A_440, %swap3A_441] {strides = array<i32>} : memref<7x16x1024xf32, #tpu.memory_space<vmem>>, vector<1x1x16xf32>,
        %swap3A_443 = vector.shape_cast %swap3A_442 : vector<1x1x16xf32> to vector<16xf32>
        %swap3A_444 = vector.shape_cast %mul3A_438 : vector<16xf32> to vector<1x1x16xf32>
        tpu.vector_store %arg6[%swap3A_439, %swap3A_440, %swap3A_441], %swap3A_444 {strides = array<i32>} : memref<7x16x1024xf32, #tpu.memory_space<vmem>>, vector<1x1x16xf32>,
        %get3A_445 = arith.index_cast %rem3A_173 : i32 to index
        %get3A_446 = arith.index_cast %scan3A_221 : i32 to index
        %get3A_447 = arith.constant 256 : index
        %get3A_448 = tpu.vector_load %arg6[%get3A_445, %get3A_446, %get3A_447] {strides = array<i32>} : memref<7x16x1024xf32, #tpu.memory_space<vmem>>, vector<1x1x16xf32>,
        %get3A_449 = vector.shape_cast %get3A_448 : vector<1x1x16xf32> to vector<16xf32>
        %mul3A_450 = arith.constant 3.200000e+01 : f32
        %mul3A_451 = vector.broadcast %mul3A_450 : f32 to vector<16xf32>
        %mul3A_452 = arith.mulf %get3A_449, %mul3A_451 : vector<16xf32>
        %swap3A_453 = arith.index_cast %rem3A_173 : i32 to index
        %swap3A_454 = arith.index_cast %scan3A_221 : i32 to index
        %swap3A_455 = arith.constant 256 : index
        %swap3A_456 = tpu.vector_load %arg6[%swap3A_453, %swap3A_454, %swap3A_455] {strides = array<i32>} : memref<7x16x1024xf32, #tpu.memory_space<vmem>>, vector<1x1x16xf32>,
        %swap3A_457 = vector.shape_cast %swap3A_456 : vector<1x1x16xf32> to vector<16xf32>
        %swap3A_458 = vector.shape_cast %mul3A_452 : vector<16xf32> to vector<1x1x16xf32>
        tpu.vector_store %arg6[%swap3A_453, %swap3A_454, %swap3A_455], %swap3A_458 {strides = array<i32>} : memref<7x16x1024xf32, #tpu.memory_space<vmem>>, vector<1x1x16xf32>,
        %get3A_459 = arith.index_cast %rem3A_173 : i32 to index
        %get3A_460 = arith.index_cast %scan3A_221 : i32 to index
        %get3A_461 = arith.constant 272 : index
        %get3A_462 = tpu.vector_load %arg6[%get3A_459, %get3A_460, %get3A_461] {strides = array<i32>} : memref<7x16x1024xf32, #tpu.memory_space<vmem>>, vector<1x1x16xf32>,
        %get3A_463 = vector.shape_cast %get3A_462 : vector<1x1x16xf32> to vector<16xf32>
        %mul3A_464 = arith.constant 3.200000e+01 : f32
        %mul3A_465 = vector.broadcast %mul3A_464 : f32 to vector<16xf32>
        %mul3A_466 = arith.mulf %get3A_463, %mul3A_465 : vector<16xf32>
        %swap3A_467 = arith.index_cast %rem3A_173 : i32 to index
        %swap3A_468 = arith.index_cast %scan3A_221 : i32 to index
        %swap3A_469 = arith.constant 272 : index
        %swap3A_470 = tpu.vector_load %arg6[%swap3A_467, %swap3A_468, %swap3A_469] {strides = array<i32>} : memref<7x16x1024xf32, #tpu.memory_space<vmem>>, vector<1x1x16xf32>,
        %swap3A_471 = vector.shape_cast %swap3A_470 : vector<1x1x16xf32> to vector<16xf32>
        %swap3A_472 = vector.shape_cast %mul3A_466 : vector<16xf32> to vector<1x1x16xf32>
        tpu.vector_store %arg6[%swap3A_467, %swap3A_468, %swap3A_469], %swap3A_472 {strides = array<i32>} : memref<7x16x1024xf32, #tpu.memory_space<vmem>>, vector<1x1x16xf32>,
        %get3A_473 = arith.index_cast %rem3A_173 : i32 to index
        %get3A_474 = arith.index_cast %scan3A_221 : i32 to index
        %get3A_475 = arith.constant 288 : index
        %get3A_476 = tpu.vector_load %arg6[%get3A_473, %get3A_474, %get3A_475] {strides = array<i32>} : memref<7x16x1024xf32, #tpu.memory_space<vmem>>, vector<1x1x16xf32>,
        %get3A_477 = vector.shape_cast %get3A_476 : vector<1x1x16xf32> to vector<16xf32>
        %mul3A_478 = arith.constant 3.200000e+01 : f32
        %mul3A_479 = vector.broadcast %mul3A_478 : f32 to vector<16xf32>
        %mul3A_480 = arith.mulf %get3A_477, %mul3A_479 : vector<16xf32>
        %swap3A_481 = arith.index_cast %rem3A_173 : i32 to index
        %swap3A_482 = arith.index_cast %scan3A_221 : i32 to index
        %swap3A_483 = arith.constant 288 : index
        %swap3A_484 = tpu.vector_load %arg6[%swap3A_481, %swap3A_482, %swap3A_483] {strides = array<i32>} : memref<7x16x1024xf32, #tpu.memory_space<vmem>>, vector<1x1x16xf32>,
        %swap3A_485 = vector.shape_cast %swap3A_484 : vector<1x1x16xf32> to vector<16xf32>
        %swap3A_486 = vector.shape_cast %mul3A_480 : vector<16xf32> to vector<1x1x16xf32>
        tpu.vector_store %arg6[%swap3A_481, %swap3A_482, %swap3A_483], %swap3A_486 {strides = array<i32>} : memref<7x16x1024xf32, #tpu.memory_space<vmem>>, vector<1x1x16xf32>,
        %get3A_487 = arith.index_cast %rem3A_173 : i32 to index
        %get3A_488 = arith.index_cast %scan3A_221 : i32 to index
        %get3A_489 = arith.constant 304 : index
        %get3A_490 = tpu.vector_load %arg6[%get3A_487, %get3A_488, %get3A_489] {strides = array<i32>} : memref<7x16x1024xf32, #tpu.memory_space<vmem>>, vector<1x1x16xf32>,
        %get3A_491 = vector.shape_cast %get3A_490 : vector<1x1x16xf32> to vector<16xf32>
        %mul3A_492 = arith.constant 3.200000e+01 : f32
        %mul3A_493 = vector.broadcast %mul3A_492 : f32 to vector<16xf32>
        %mul3A_494 = arith.mulf %get3A_491, %mul3A_493 : vector<16xf32>
        %swap3A_495 = arith.index_cast %rem3A_173 : i32 to index
        %swap3A_496 = arith.index_cast %scan3A_221 : i32 to index
        %swap3A_497 = arith.constant 304 : index
        %swap3A_498 = tpu.vector_load %arg6[%swap3A_495, %swap3A_496, %swap3A_497] {strides = array<i32>} : memref<7x16x1024xf32, #tpu.memory_space<vmem>>, vector<1x1x16xf32>,
        %swap3A_499 = vector.shape_cast %swap3A_498 : vector<1x1x16xf32> to vector<16xf32>
        %swap3A_500 = vector.shape_cast %mul3A_494 : vector<16xf32> to vector<1x1x16xf32>
        tpu.vector_store %arg6[%swap3A_495, %swap3A_496, %swap3A_497], %swap3A_500 {strides = array<i32>} : memref<7x16x1024xf32, #tpu.memory_space<vmem>>, vector<1x1x16xf32>,
        %get3A_501 = arith.index_cast %rem3A_173 : i32 to index
        %get3A_502 = arith.index_cast %scan3A_221 : i32 to index
        %get3A_503 = arith.constant 320 : index
        %get3A_504 = tpu.vector_load %arg6[%get3A_501, %get3A_502, %get3A_503] {strides = array<i32>} : memref<7x16x1024xf32, #tpu.memory_space<vmem>>, vector<1x1x16xf32>,
        %get3A_505 = vector.shape_cast %get3A_504 : vector<1x1x16xf32> to vector<16xf32>
        %mul3A_506 = arith.constant 3.200000e+01 : f32
        %mul3A_507 = vector.broadcast %mul3A_506 : f32 to vector<16xf32>
        %mul3A_508 = arith.mulf %get3A_505, %mul3A_507 : vector<16xf32>
        %swap3A_509 = arith.index_cast %rem3A_173 : i32 to index
        %swap3A_510 = arith.index_cast %scan3A_221 : i32 to index
        %swap3A_511 = arith.constant 320 : index
        %swap3A_512 = tpu.vector_load %arg6[%swap3A_509, %swap3A_510, %swap3A_511] {strides = array<i32>} : memref<7x16x1024xf32, #tpu.memory_space<vmem>>, vector<1x1x16xf32>,
        %swap3A_513 = vector.shape_cast %swap3A_512 : vector<1x1x16xf32> to vector<16xf32>
        %swap3A_514 = vector.shape_cast %mul3A_508 : vector<16xf32> to vector<1x1x16xf32>
        tpu.vector_store %arg6[%swap3A_509, %swap3A_510, %swap3A_511], %swap3A_514 {strides = array<i32>} : memref<7x16x1024xf32, #tpu.memory_space<vmem>>, vector<1x1x16xf32>,
        %get3A_515 = arith.index_cast %rem3A_173 : i32 to index
        %get3A_516 = arith.index_cast %scan3A_221 : i32 to index
        %get3A_517 = arith.constant 336 : index
        %get3A_518 = tpu.vector_load %arg6[%get3A_515, %get3A_516, %get3A_517] {strides = array<i32>} : memref<7x16x1024xf32, #tpu.memory_space<vmem>>, vector<1x1x16xf32>,
        %get3A_519 = vector.shape_cast %get3A_518 : vector<1x1x16xf32> to vector<16xf32>
        %mul3A_520 = arith.constant 3.200000e+01 : f32
        %mul3A_521 = vector.broadcast %mul3A_520 : f32 to vector<16xf32>
        %mul3A_522 = arith.mulf %get3A_519, %mul3A_521 : vector<16xf32>
        %swap3A_523 = arith.index_cast %rem3A_173 : i32 to index
        %swap3A_524 = arith.index_cast %scan3A_221 : i32 to index
        %swap3A_525 = arith.constant 336 : index
        %swap3A_526 = tpu.vector_load %arg6[%swap3A_523, %swap3A_524, %swap3A_525] {strides = array<i32>} : memref<7x16x1024xf32, #tpu.memory_space<vmem>>, vector<1x1x16xf32>,
        %swap3A_527 = vector.shape_cast %swap3A_526 : vector<1x1x16xf32> to vector<16xf32>
        %swap3A_528 = vector.shape_cast %mul3A_522 : vector<16xf32> to vector<1x1x16xf32>
        tpu.vector_store %arg6[%swap3A_523, %swap3A_524, %swap3A_525], %swap3A_528 {strides = array<i32>} : memref<7x16x1024xf32, #tpu.memory_space<vmem>>, vector<1x1x16xf32>,
        %get3A_529 = arith.index_cast %rem3A_173 : i32 to index
        %get3A_530 = arith.index_cast %scan3A_221 : i32 to index
        %get3A_531 = arith.constant 352 : index
        %get3A_532 = tpu.vector_load %arg6[%get3A_529, %get3A_530, %get3A_531] {strides = array<i32>} : memref<7x16x1024xf32, #tpu.memory_space<vmem>>, vector<1x1x16xf32>,
        %get3A_533 = vector.shape_cast %get3A_532 : vector<1x1x16xf32> to vector<16xf32>
        %mul3A_534 = arith.constant 3.200000e+01 : f32
        %mul3A_535 = vector.broadcast %mul3A_534 : f32 to vector<16xf32>
        %mul3A_536 = arith.mulf %get3A_533, %mul3A_535 : vector<16xf32>
        %swap3A_537 = arith.index_cast %rem3A_173 : i32 to index
        %swap3A_538 = arith.index_cast %scan3A_221 : i32 to index
        %swap3A_539 = arith.constant 352 : index
        %swap3A_540 = tpu.vector_load %arg6[%swap3A_537, %swap3A_538, %swap3A_539] {strides = array<i32>} : memref<7x16x1024xf32, #tpu.memory_space<vmem>>, vector<1x1x16xf32>,
        %swap3A_541 = vector.shape_cast %swap3A_540 : vector<1x1x16xf32> to vector<16xf32>
        %swap3A_542 = vector.shape_cast %mul3A_536 : vector<16xf32> to vector<1x1x16xf32>
        tpu.vector_store %arg6[%swap3A_537, %swap3A_538, %swap3A_539], %swap3A_542 {strides = array<i32>} : memref<7x16x1024xf32, #tpu.memory_space<vmem>>, vector<1x1x16xf32>,
        %get3A_543 = arith.index_cast %rem3A_173 : i32 to index
        %get3A_544 = arith.index_cast %scan3A_221 : i32 to index
        %get3A_545 = arith.constant 368 : index
        %get3A_546 = tpu.vector_load %arg6[%get3A_543, %get3A_544, %get3A_545] {strides = array<i32>} : memref<7x16x1024xf32, #tpu.memory_space<vmem>>, vector<1x1x16xf32>,
        %get3A_547 = vector.shape_cast %get3A_546 : vector<1x1x16xf32> to vector<16xf32>
        %mul3A_548 = arith.constant 3.200000e+01 : f32
        %mul3A_549 = vector.broadcast %mul3A_548 : f32 to vector<16xf32>
        %mul3A_550 = arith.mulf %get3A_547, %mul3A_549 : vector<16xf32>
        %swap3A_551 = arith.index_cast %rem3A_173 : i32 to index
        %swap3A_552 = arith.index_cast %scan3A_221 : i32 to index
        %swap3A_553 = arith.constant 368 : index
        %swap3A_554 = tpu.vector_load %arg6[%swap3A_551, %swap3A_552, %swap3A_553] {strides = array<i32>} : memref<7x16x1024xf32, #tpu.memory_space<vmem>>, vector<1x1x16xf32>,
        %swap3A_555 = vector.shape_cast %swap3A_554 : vector<1x1x16xf32> to vector<16xf32>
        %swap3A_556 = vector.shape_cast %mul3A_550 : vector<16xf32> to vector<1x1x16xf32>
        tpu.vector_store %arg6[%swap3A_551, %swap3A_552, %swap3A_553], %swap3A_556 {strides = array<i32>} : memref<7x16x1024xf32, #tpu.memory_space<vmem>>, vector<1x1x16xf32>,
        %get3A_557 = arith.index_cast %rem3A_173 : i32 to index
        %get3A_558 = arith.index_cast %scan3A_221 : i32 to index
        %get3A_559 = arith.constant 384 : index
        %get3A_560 = tpu.vector_load %arg6[%get3A_557, %get3A_558, %get3A_559] {strides = array<i32>} : memref<7x16x1024xf32, #tpu.memory_space<vmem>>, vector<1x1x16xf32>,
        %get3A_561 = vector.shape_cast %get3A_560 : vector<1x1x16xf32> to vector<16xf32>
        %mul3A_562 = arith.constant 3.200000e+01 : f32
        %mul3A_563 = vector.broadcast %mul3A_562 : f32 to vector<16xf32>
        %mul3A_564 = arith.mulf %get3A_561, %mul3A_563 : vector<16xf32>
        %swap3A_565 = arith.index_cast %rem3A_173 : i32 to index
        %swap3A_566 = arith.index_cast %scan3A_221 : i32 to index
        %swap3A_567 = arith.constant 384 : index
        %swap3A_568 = tpu.vector_load %arg6[%swap3A_565, %swap3A_566, %swap3A_567] {strides = array<i32>} : memref<7x16x1024xf32, #tpu.memory_space<vmem>>, vector<1x1x16xf32>,
        %swap3A_569 = vector.shape_cast %swap3A_568 : vector<1x1x16xf32> to vector<16xf32>
        %swap3A_570 = vector.shape_cast %mul3A_564 : vector<16xf32> to vector<1x1x16xf32>
        tpu.vector_store %arg6[%swap3A_565, %swap3A_566, %swap3A_567], %swap3A_570 {strides = array<i32>} : memref<7x16x1024xf32, #tpu.memory_space<vmem>>, vector<1x1x16xf32>,
        %get3A_571 = arith.index_cast %rem3A_173 : i32 to index
        %get3A_572 = arith.index_cast %scan3A_221 : i32 to index
        %get3A_573 = arith.constant 400 : index
        %get3A_574 = tpu.vector_load %arg6[%get3A_571, %get3A_572, %get3A_573] {strides = array<i32>} : memref<7x16x1024xf32, #tpu.memory_space<vmem>>, vector<1x1x16xf32>,
        %get3A_575 = vector.shape_cast %get3A_574 : vector<1x1x16xf32> to vector<16xf32>
        %mul3A_576 = arith.constant 3.200000e+01 : f32
        %mul3A_577 = vector.broadcast %mul3A_576 : f32 to vector<16xf32>
        %mul3A_578 = arith.mulf %get3A_575, %mul3A_577 : vector<16xf32>
        %swap3A_579 = arith.index_cast %rem3A_173 : i32 to index
        %swap3A_580 = arith.index_cast %scan3A_221 : i32 to index
        %swap3A_581 = arith.constant 400 : index
        %swap3A_582 = tpu.vector_load %arg6[%swap3A_579, %swap3A_580, %swap3A_581] {strides = array<i32>} : memref<7x16x1024xf32, #tpu.memory_space<vmem>>, vector<1x1x16xf32>,
        %swap3A_583 = vector.shape_cast %swap3A_582 : vector<1x1x16xf32> to vector<16xf32>
        %swap3A_584 = vector.shape_cast %mul3A_578 : vector<16xf32> to vector<1x1x16xf32>
        tpu.vector_store %arg6[%swap3A_579, %swap3A_580, %swap3A_581], %swap3A_584 {strides = array<i32>} : memref<7x16x1024xf32, #tpu.memory_space<vmem>>, vector<1x1x16xf32>,
        %get3A_585 = arith.index_cast %rem3A_173 : i32 to index
        %get3A_586 = arith.index_cast %scan3A_221 : i32 to index
        %get3A_587 = arith.constant 416 : index
        %get3A_588 = tpu.vector_load %arg6[%get3A_585, %get3A_586, %get3A_587] {strides = array<i32>} : memref<7x16x1024xf32, #tpu.memory_space<vmem>>, vector<1x1x16xf32>,
        %get3A_589 = vector.shape_cast %get3A_588 : vector<1x1x16xf32> to vector<16xf32>
        %mul3A_590 = arith.constant 3.200000e+01 : f32
        %mul3A_591 = vector.broadcast %mul3A_590 : f32 to vector<16xf32>
        %mul3A_592 = arith.mulf %get3A_589, %mul3A_591 : vector<16xf32>
        %swap3A_593 = arith.index_cast %rem3A_173 : i32 to index
        %swap3A_594 = arith.index_cast %scan3A_221 : i32 to index
        %swap3A_595 = arith.constant 416 : index
        %swap3A_596 = tpu.vector_load %arg6[%swap3A_593, %swap3A_594, %swap3A_595] {strides = array<i32>} : memref<7x16x1024xf32, #tpu.memory_space<vmem>>, vector<1x1x16xf32>,
        %swap3A_597 = vector.shape_cast %swap3A_596 : vector<1x1x16xf32> to vector<16xf32>
        %swap3A_598 = vector.shape_cast %mul3A_592 : vector<16xf32> to vector<1x1x16xf32>
        tpu.vector_store %arg6[%swap3A_593, %swap3A_594, %swap3A_595], %swap3A_598 {strides = array<i32>} : memref<7x16x1024xf32, #tpu.memory_space<vmem>>, vector<1x1x16xf32>,
        %get3A_599 = arith.index_cast %rem3A_173 : i32 to index
        %get3A_600 = arith.index_cast %scan3A_221 : i32 to index
        %get3A_601 = arith.constant 432 : index
        %get3A_602 = tpu.vector_load %arg6[%get3A_599, %get3A_600, %get3A_601] {strides = array<i32>} : memref<7x16x1024xf32, #tpu.memory_space<vmem>>, vector<1x1x16xf32>,
        %get3A_603 = vector.shape_cast %get3A_602 : vector<1x1x16xf32> to vector<16xf32>
        %mul3A_604 = arith.constant 3.200000e+01 : f32
        %mul3A_605 = vector.broadcast %mul3A_604 : f32 to vector<16xf32>
        %mul3A_606 = arith.mulf %get3A_603, %mul3A_605 : vector<16xf32>
        %swap3A_607 = arith.index_cast %rem3A_173 : i32 to index
        %swap3A_608 = arith.index_cast %scan3A_221 : i32 to index
        %swap3A_609 = arith.constant 432 : index
        %swap3A_610 = tpu.vector_load %arg6[%swap3A_607, %swap3A_608, %swap3A_609] {strides = array<i32>} : memref<7x16x1024xf32, #tpu.memory_space<vmem>>, vector<1x1x16xf32>,
        %swap3A_611 = vector.shape_cast %swap3A_610 : vector<1x1x16xf32> to vector<16xf32>
        %swap3A_612 = vector.shape_cast %mul3A_606 : vector<16xf32> to vector<1x1x16xf32>
        tpu.vector_store %arg6[%swap3A_607, %swap3A_608, %swap3A_609], %swap3A_612 {strides = array<i32>} : memref<7x16x1024xf32, #tpu.memory_space<vmem>>, vector<1x1x16xf32>,
        %get3A_613 = arith.index_cast %rem3A_173 : i32 to index
        %get3A_614 = arith.index_cast %scan3A_221 : i32 to index
        %get3A_615 = arith.constant 448 : index
        %get3A_616 = tpu.vector_load %arg6[%get3A_613, %get3A_614, %get3A_615] {strides = array<i32>} : memref<7x16x1024xf32, #tpu.memory_space<vmem>>, vector<1x1x16xf32>,
        %get3A_617 = vector.shape_cast %get3A_616 : vector<1x1x16xf32> to vector<16xf32>
        %mul3A_618 = arith.constant 3.200000e+01 : f32
        %mul3A_619 = vector.broadcast %mul3A_618 : f32 to vector<16xf32>
        %mul3A_620 = arith.mulf %get3A_617, %mul3A_619 : vector<16xf32>
        %swap3A_621 = arith.index_cast %rem3A_173 : i32 to index
        %swap3A_622 = arith.index_cast %scan3A_221 : i32 to index
        %swap3A_623 = arith.constant 448 : index
        %swap3A_624 = tpu.vector_load %arg6[%swap3A_621, %swap3A_622, %swap3A_623] {strides = array<i32>} : memref<7x16x1024xf32, #tpu.memory_space<vmem>>, vector<1x1x16xf32>,
        %swap3A_625 = vector.shape_cast %swap3A_624 : vector<1x1x16xf32> to vector<16xf32>
        %swap3A_626 = vector.shape_cast %mul3A_620 : vector<16xf32> to vector<1x1x16xf32>
        tpu.vector_store %arg6[%swap3A_621, %swap3A_622, %swap3A_623], %swap3A_626 {strides = array<i32>} : memref<7x16x1024xf32, #tpu.memory_space<vmem>>, vector<1x1x16xf32>,
        %get3A_627 = arith.index_cast %rem3A_173 : i32 to index
        %get3A_628 = arith.index_cast %scan3A_221 : i32 to index
        %get3A_629 = arith.constant 464 : index
        %get3A_630 = tpu.vector_load %arg6[%get3A_627, %get3A_628, %get3A_629] {strides = array<i32>} : memref<7x16x1024xf32, #tpu.memory_space<vmem>>, vector<1x1x16xf32>,
        %get3A_631 = vector.shape_cast %get3A_630 : vector<1x1x16xf32> to vector<16xf32>
        %mul3A_632 = arith.constant 3.200000e+01 : f32
        %mul3A_633 = vector.broadcast %mul3A_632 : f32 to vector<16xf32>
        %mul3A_634 = arith.mulf %get3A_631, %mul3A_633 : vector<16xf32>
        %swap3A_635 = arith.index_cast %rem3A_173 : i32 to index
        %swap3A_636 = arith.index_cast %scan3A_221 : i32 to index
        %swap3A_637 = arith.constant 464 : index
        %swap3A_638 = tpu.vector_load %arg6[%swap3A_635, %swap3A_636, %swap3A_637] {strides = array<i32>} : memref<7x16x1024xf32, #tpu.memory_space<vmem>>, vector<1x1x16xf32>,
        %swap3A_639 = vector.shape_cast %swap3A_638 : vector<1x1x16xf32> to vector<16xf32>
        %swap3A_640 = vector.shape_cast %mul3A_634 : vector<16xf32> to vector<1x1x16xf32>
        tpu.vector_store %arg6[%swap3A_635, %swap3A_636, %swap3A_637], %swap3A_640 {strides = array<i32>} : memref<7x16x1024xf32, #tpu.memory_space<vmem>>, vector<1x1x16xf32>,
        %get3A_641 = arith.index_cast %rem3A_173 : i32 to index
        %get3A_642 = arith.index_cast %scan3A_221 : i32 to index
        %get3A_643 = arith.constant 480 : index
        %get3A_644 = tpu.vector_load %arg6[%get3A_641, %get3A_642, %get3A_643] {strides = array<i32>} : memref<7x16x1024xf32, #tpu.memory_space<vmem>>, vector<1x1x16xf32>,
        %get3A_645 = vector.shape_cast %get3A_644 : vector<1x1x16xf32> to vector<16xf32>
        %mul3A_646 = arith.constant 3.200000e+01 : f32
        %mul3A_647 = vector.broadcast %mul3A_646 : f32 to vector<16xf32>
        %mul3A_648 = arith.mulf %get3A_645, %mul3A_647 : vector<16xf32>
        %swap3A_649 = arith.index_cast %rem3A_173 : i32 to index
        %swap3A_650 = arith.index_cast %scan3A_221 : i32 to index
        %swap3A_651 = arith.constant 480 : index
        %swap3A_652 = tpu.vector_load %arg6[%swap3A_649, %swap3A_650, %swap3A_651] {strides = array<i32>} : memref<7x16x1024xf32, #tpu.memory_space<vmem>>, vector<1x1x16xf32>,
        %swap3A_653 = vector.shape_cast %swap3A_652 : vector<1x1x16xf32> to vector<16xf32>
        %swap3A_654 = vector.shape_cast %mul3A_648 : vector<16xf32> to vector<1x1x16xf32>
        tpu.vector_store %arg6[%swap3A_649, %swap3A_650, %swap3A_651], %swap3A_654 {strides = array<i32>} : memref<7x16x1024xf32, #tpu.memory_space<vmem>>, vector<1x1x16xf32>,
        %get3A_655 = arith.index_cast %rem3A_173 : i32 to index
        %get3A_656 = arith.index_cast %scan3A_221 : i32 to index
        %get3A_657 = arith.constant 496 : index
        %get3A_658 = tpu.vector_load %arg6[%get3A_655, %get3A_656, %get3A_657] {strides = array<i32>} : memref<7x16x1024xf32, #tpu.memory_space<vmem>>, vector<1x1x16xf32>,
        %get3A_659 = vector.shape_cast %get3A_658 : vector<1x1x16xf32> to vector<16xf32>
        %mul3A_660 = arith.constant 3.200000e+01 : f32
        %mul3A_661 = vector.broadcast %mul3A_660 : f32 to vector<16xf32>
        %mul3A_662 = arith.mulf %get3A_659, %mul3A_661 : vector<16xf32>
        %swap3A_663 = arith.index_cast %rem3A_173 : i32 to index
        %swap3A_664 = arith.index_cast %scan3A_221 : i32 to index
        %swap3A_665 = arith.constant 496 : index
        %swap3A_666 = tpu.vector_load %arg6[%swap3A_663, %swap3A_664, %swap3A_665] {strides = array<i32>} : memref<7x16x1024xf32, #tpu.memory_space<vmem>>, vector<1x1x16xf32>,
        %swap3A_667 = vector.shape_cast %swap3A_666 : vector<1x1x16xf32> to vector<16xf32>
        %swap3A_668 = vector.shape_cast %mul3A_662 : vector<16xf32> to vector<1x1x16xf32>
        tpu.vector_store %arg6[%swap3A_663, %swap3A_664, %swap3A_665], %swap3A_668 {strides = array<i32>} : memref<7x16x1024xf32, #tpu.memory_space<vmem>>, vector<1x1x16xf32>,
        %get3A_669 = arith.index_cast %rem3A_173 : i32 to index
        %get3A_670 = arith.index_cast %scan3A_221 : i32 to index
        %get3A_671 = arith.constant 512 : index
        %get3A_672 = tpu.vector_load %arg6[%get3A_669, %get3A_670, %get3A_671] {strides = array<i32>} : memref<7x16x1024xf32, #tpu.memory_space<vmem>>, vector<1x1x16xf32>,
        %get3A_673 = vector.shape_cast %get3A_672 : vector<1x1x16xf32> to vector<16xf32>
        %mul3A_674 = arith.constant 3.200000e+01 : f32
        %mul3A_675 = vector.broadcast %mul3A_674 : f32 to vector<16xf32>
        %mul3A_676 = arith.mulf %get3A_673, %mul3A_675 : vector<16xf32>
        %swap3A_677 = arith.index_cast %rem3A_173 : i32 to index
        %swap3A_678 = arith.index_cast %scan3A_221 : i32 to index
        %swap3A_679 = arith.constant 512 : index
        %swap3A_680 = tpu.vector_load %arg6[%swap3A_677, %swap3A_678, %swap3A_679] {strides = array<i32>} : memref<7x16x1024xf32, #tpu.memory_space<vmem>>, vector<1x1x16xf32>,
        %swap3A_681 = vector.shape_cast %swap3A_680 : vector<1x1x16xf32> to vector<16xf32>
        %swap3A_682 = vector.shape_cast %mul3A_676 : vector<16xf32> to vector<1x1x16xf32>
        tpu.vector_store %arg6[%swap3A_677, %swap3A_678, %swap3A_679], %swap3A_682 {strides = array<i32>} : memref<7x16x1024xf32, #tpu.memory_space<vmem>>, vector<1x1x16xf32>,
        %get3A_683 = arith.index_cast %rem3A_173 : i32 to index
        %get3A_684 = arith.index_cast %scan3A_221 : i32 to index
        %get3A_685 = arith.constant 528 : index
        %get3A_686 = tpu.vector_load %arg6[%get3A_683, %get3A_684, %get3A_685] {strides = array<i32>} : memref<7x16x1024xf32, #tpu.memory_space<vmem>>, vector<1x1x16xf32>,
        %get3A_687 = vector.shape_cast %get3A_686 : vector<1x1x16xf32> to vector<16xf32>
        %mul3A_688 = arith.constant 3.200000e+01 : f32
        %mul3A_689 = vector.broadcast %mul3A_688 : f32 to vector<16xf32>
        %mul3A_690 = arith.mulf %get3A_687, %mul3A_689 : vector<16xf32>
        %swap3A_691 = arith.index_cast %rem3A_173 : i32 to index
        %swap3A_692 = arith.index_cast %scan3A_221 : i32 to index
        %swap3A_693 = arith.constant 528 : index
        %swap3A_694 = tpu.vector_load %arg6[%swap3A_691, %swap3A_692, %swap3A_693] {strides = array<i32>} : memref<7x16x1024xf32, #tpu.memory_space<vmem>>, vector<1x1x16xf32>,
        %swap3A_695 = vector.shape_cast %swap3A_694 : vector<1x1x16xf32> to vector<16xf32>
        %swap3A_696 = vector.shape_cast %mul3A_690 : vector<16xf32> to vector<1x1x16xf32>
        tpu.vector_store %arg6[%swap3A_691, %swap3A_692, %swap3A_693], %swap3A_696 {strides = array<i32>} : memref<7x16x1024xf32, #tpu.memory_space<vmem>>, vector<1x1x16xf32>,
        %get3A_697 = arith.index_cast %rem3A_173 : i32 to index
        %get3A_698 = arith.index_cast %scan3A_221 : i32 to index
        %get3A_699 = arith.constant 544 : index
        %get3A_700 = tpu.vector_load %arg6[%get3A_697, %get3A_698, %get3A_699] {strides = array<i32>} : memref<7x16x1024xf32, #tpu.memory_space<vmem>>, vector<1x1x16xf32>,
        %get3A_701 = vector.shape_cast %get3A_700 : vector<1x1x16xf32> to vector<16xf32>
        %mul3A_702 = arith.constant 3.200000e+01 : f32
        %mul3A_703 = vector.broadcast %mul3A_702 : f32 to vector<16xf32>
        %mul3A_704 = arith.mulf %get3A_701, %mul3A_703 : vector<16xf32>
        %swap3A_705 = arith.index_cast %rem3A_173 : i32 to index
        %swap3A_706 = arith.index_cast %scan3A_221 : i32 to index
        %swap3A_707 = arith.constant 544 : index
        %swap3A_708 = tpu.vector_load %arg6[%swap3A_705, %swap3A_706, %swap3A_707] {strides = array<i32>} : memref<7x16x1024xf32, #tpu.memory_space<vmem>>, vector<1x1x16xf32>,
        %swap3A_709 = vector.shape_cast %swap3A_708 : vector<1x1x16xf32> to vector<16xf32>
        %swap3A_710 = vector.shape_cast %mul3A_704 : vector<16xf32> to vector<1x1x16xf32>
        tpu.vector_store %arg6[%swap3A_705, %swap3A_706, %swap3A_707], %swap3A_710 {strides = array<i32>} : memref<7x16x1024xf32, #tpu.memory_space<vmem>>, vector<1x1x16xf32>,
        %get3A_711 = arith.index_cast %rem3A_173 : i32 to index
        %get3A_712 = arith.index_cast %scan3A_221 : i32 to index
        %get3A_713 = arith.constant 560 : index
        %get3A_714 = tpu.vector_load %arg6[%get3A_711, %get3A_712, %get3A_713] {strides = array<i32>} : memref<7x16x1024xf32, #tpu.memory_space<vmem>>, vector<1x1x16xf32>,
        %get3A_715 = vector.shape_cast %get3A_714 : vector<1x1x16xf32> to vector<16xf32>
        %mul3A_716 = arith.constant 3.200000e+01 : f32
        %mul3A_717 = vector.broadcast %mul3A_716 : f32 to vector<16xf32>
        %mul3A_718 = arith.mulf %get3A_715, %mul3A_717 : vector<16xf32>
        %swap3A_719 = arith.index_cast %rem3A_173 : i32 to index
        %swap3A_720 = arith.index_cast %scan3A_221 : i32 to index
        %swap3A_721 = arith.constant 560 : index
        %swap3A_722 = tpu.vector_load %arg6[%swap3A_719, %swap3A_720, %swap3A_721] {strides = array<i32>} : memref<7x16x1024xf32, #tpu.memory_space<vmem>>, vector<1x1x16xf32>,
        %swap3A_723 = vector.shape_cast %swap3A_722 : vector<1x1x16xf32> to vector<16xf32>
        %swap3A_724 = vector.shape_cast %mul3A_718 : vector<16xf32> to vector<1x1x16xf32>
        tpu.vector_store %arg6[%swap3A_719, %swap3A_720, %swap3A_721], %swap3A_724 {strides = array<i32>} : memref<7x16x1024xf32, #tpu.memory_space<vmem>>, vector<1x1x16xf32>,
        %get3A_725 = arith.index_cast %rem3A_173 : i32 to index
        %get3A_726 = arith.index_cast %scan3A_221 : i32 to index
        %get3A_727 = arith.constant 576 : index
        %get3A_728 = tpu.vector_load %arg6[%get3A_725, %get3A_726, %get3A_727] {strides = array<i32>} : memref<7x16x1024xf32, #tpu.memory_space<vmem>>, vector<1x1x16xf32>,
        %get3A_729 = vector.shape_cast %get3A_728 : vector<1x1x16xf32> to vector<16xf32>
        %mul3A_730 = arith.constant 3.200000e+01 : f32
        %mul3A_731 = vector.broadcast %mul3A_730 : f32 to vector<16xf32>
        %mul3A_732 = arith.mulf %get3A_729, %mul3A_731 : vector<16xf32>
        %swap3A_733 = arith.index_cast %rem3A_173 : i32 to index
        %swap3A_734 = arith.index_cast %scan3A_221 : i32 to index
        %swap3A_735 = arith.constant 576 : index
        %swap3A_736 = tpu.vector_load %arg6[%swap3A_733, %swap3A_734, %swap3A_735] {strides = array<i32>} : memref<7x16x1024xf32, #tpu.memory_space<vmem>>, vector<1x1x16xf32>,
        %swap3A_737 = vector.shape_cast %swap3A_736 : vector<1x1x16xf32> to vector<16xf32>
        %swap3A_738 = vector.shape_cast %mul3A_732 : vector<16xf32> to vector<1x1x16xf32>
        tpu.vector_store %arg6[%swap3A_733, %swap3A_734, %swap3A_735], %swap3A_738 {strides = array<i32>} : memref<7x16x1024xf32, #tpu.memory_space<vmem>>, vector<1x1x16xf32>,
        %get3A_739 = arith.index_cast %rem3A_173 : i32 to index
        %get3A_740 = arith.index_cast %scan3A_221 : i32 to index
        %get3A_741 = arith.constant 592 : index
        %get3A_742 = tpu.vector_load %arg6[%get3A_739, %get3A_740, %get3A_741] {strides = array<i32>} : memref<7x16x1024xf32, #tpu.memory_space<vmem>>, vector<1x1x16xf32>,
        %get3A_743 = vector.shape_cast %get3A_742 : vector<1x1x16xf32> to vector<16xf32>
        %mul3A_744 = arith.constant 3.200000e+01 : f32
        %mul3A_745 = vector.broadcast %mul3A_744 : f32 to vector<16xf32>
        %mul3A_746 = arith.mulf %get3A_743, %mul3A_745 : vector<16xf32>
        %swap3A_747 = arith.index_cast %rem3A_173 : i32 to index
        %swap3A_748 = arith.index_cast %scan3A_221 : i32 to index
        %swap3A_749 = arith.constant 592 : index
        %swap3A_750 = tpu.vector_load %arg6[%swap3A_747, %swap3A_748, %swap3A_749] {strides = array<i32>} : memref<7x16x1024xf32, #tpu.memory_space<vmem>>, vector<1x1x16xf32>,
        %swap3A_751 = vector.shape_cast %swap3A_750 : vector<1x1x16xf32> to vector<16xf32>
        %swap3A_752 = vector.shape_cast %mul3A_746 : vector<16xf32> to vector<1x1x16xf32>
        tpu.vector_store %arg6[%swap3A_747, %swap3A_748, %swap3A_749], %swap3A_752 {strides = array<i32>} : memref<7x16x1024xf32, #tpu.memory_space<vmem>>, vector<1x1x16xf32>,
        %get3A_753 = arith.index_cast %rem3A_173 : i32 to index
        %get3A_754 = arith.index_cast %scan3A_221 : i32 to index
        %get3A_755 = arith.constant 608 : index
        %get3A_756 = tpu.vector_load %arg6[%get3A_753, %get3A_754, %get3A_755] {strides = array<i32>} : memref<7x16x1024xf32, #tpu.memory_space<vmem>>, vector<1x1x16xf32>,
        %get3A_757 = vector.shape_cast %get3A_756 : vector<1x1x16xf32> to vector<16xf32>
        %mul3A_758 = arith.constant 3.200000e+01 : f32
        %mul3A_759 = vector.broadcast %mul3A_758 : f32 to vector<16xf32>
        %mul3A_760 = arith.mulf %get3A_757, %mul3A_759 : vector<16xf32>
        %swap3A_761 = arith.index_cast %rem3A_173 : i32 to index
        %swap3A_762 = arith.index_cast %scan3A_221 : i32 to index
        %swap3A_763 = arith.constant 608 : index
        %swap3A_764 = tpu.vector_load %arg6[%swap3A_761, %swap3A_762, %swap3A_763] {strides = array<i32>} : memref<7x16x1024xf32, #tpu.memory_space<vmem>>, vector<1x1x16xf32>,
        %swap3A_765 = vector.shape_cast %swap3A_764 : vector<1x1x16xf32> to vector<16xf32>
        %swap3A_766 = vector.shape_cast %mul3A_760 : vector<16xf32> to vector<1x1x16xf32>
        tpu.vector_store %arg6[%swap3A_761, %swap3A_762, %swap3A_763], %swap3A_766 {strides = array<i32>} : memref<7x16x1024xf32, #tpu.memory_space<vmem>>, vector<1x1x16xf32>,
        %get3A_767 = arith.index_cast %rem3A_173 : i32 to index
        %get3A_768 = arith.index_cast %scan3A_221 : i32 to index
        %get3A_769 = arith.constant 624 : index
        %get3A_770 = tpu.vector_load %arg6[%get3A_767, %get3A_768, %get3A_769] {strides = array<i32>} : memref<7x16x1024xf32, #tpu.memory_space<vmem>>, vector<1x1x16xf32>,
        %get3A_771 = vector.shape_cast %get3A_770 : vector<1x1x16xf32> to vector<16xf32>
        %mul3A_772 = arith.constant 3.200000e+01 : f32
        %mul3A_773 = vector.broadcast %mul3A_772 : f32 to vector<16xf32>
        %mul3A_774 = arith.mulf %get3A_771, %mul3A_773 : vector<16xf32>
        %swap3A_775 = arith.index_cast %rem3A_173 : i32 to index
        %swap3A_776 = arith.index_cast %scan3A_221 : i32 to index
        %swap3A_777 = arith.constant 624 : index
        %swap3A_778 = tpu.vector_load %arg6[%swap3A_775, %swap3A_776, %swap3A_777] {strides = array<i32>} : memref<7x16x1024xf32, #tpu.memory_space<vmem>>, vector<1x1x16xf32>,
        %swap3A_779 = vector.shape_cast %swap3A_778 : vector<1x1x16xf32> to vector<16xf32>
        %swap3A_780 = vector.shape_cast %mul3A_774 : vector<16xf32> to vector<1x1x16xf32>
        tpu.vector_store %arg6[%swap3A_775, %swap3A_776, %swap3A_777], %swap3A_780 {strides = array<i32>} : memref<7x16x1024xf32, #tpu.memory_space<vmem>>, vector<1x1x16xf32>,
        %get3A_781 = arith.index_cast %rem3A_173 : i32 to index
        %get3A_782 = arith.index_cast %scan3A_221 : i32 to index
        %get3A_783 = arith.constant 640 : index
        %get3A_784 = tpu.vector_load %arg6[%get3A_781, %get3A_782, %get3A_783] {strides = array<i32>} : memref<7x16x1024xf32, #tpu.memory_space<vmem>>, vector<1x1x16xf32>,
        %get3A_785 = vector.shape_cast %get3A_784 : vector<1x1x16xf32> to vector<16xf32>
        %mul3A_786 = arith.constant 3.200000e+01 : f32
        %mul3A_787 = vector.broadcast %mul3A_786 : f32 to vector<16xf32>
        %mul3A_788 = arith.mulf %get3A_785, %mul3A_787 : vector<16xf32>
        %swap3A_789 = arith.index_cast %rem3A_173 : i32 to index
        %swap3A_790 = arith.index_cast %scan3A_221 : i32 to index
        %swap3A_791 = arith.constant 640 : index
        %swap3A_792 = tpu.vector_load %arg6[%swap3A_789, %swap3A_790, %swap3A_791] {strides = array<i32>} : memref<7x16x1024xf32, #tpu.memory_space<vmem>>, vector<1x1x16xf32>,
        %swap3A_793 = vector.shape_cast %swap3A_792 : vector<1x1x16xf32> to vector<16xf32>
        %swap3A_794 = vector.shape_cast %mul3A_788 : vector<16xf32> to vector<1x1x16xf32>
        tpu.vector_store %arg6[%swap3A_789, %swap3A_790, %swap3A_791], %swap3A_794 {strides = array<i32>} : memref<7x16x1024xf32, #tpu.memory_space<vmem>>, vector<1x1x16xf32>,
        %get3A_795 = arith.index_cast %rem3A_173 : i32 to index
        %get3A_796 = arith.index_cast %scan3A_221 : i32 to index
        %get3A_797 = arith.constant 656 : index
        %get3A_798 = tpu.vector_load %arg6[%get3A_795, %get3A_796, %get3A_797] {strides = array<i32>} : memref<7x16x1024xf32, #tpu.memory_space<vmem>>, vector<1x1x16xf32>,
        %get3A_799 = vector.shape_cast %get3A_798 : vector<1x1x16xf32> to vector<16xf32>
        %mul3A_800 = arith.constant 3.200000e+01 : f32
        %mul3A_801 = vector.broadcast %mul3A_800 : f32 to vector<16xf32>
        %mul3A_802 = arith.mulf %get3A_799, %mul3A_801 : vector<16xf32>
        %swap3A_803 = arith.index_cast %rem3A_173 : i32 to index
        %swap3A_804 = arith.index_cast %scan3A_221 : i32 to index
        %swap3A_805 = arith.constant 656 : index
        %swap3A_806 = tpu.vector_load %arg6[%swap3A_803, %swap3A_804, %swap3A_805] {strides = array<i32>} : memref<7x16x1024xf32, #tpu.memory_space<vmem>>, vector<1x1x16xf32>,
        %swap3A_807 = vector.shape_cast %swap3A_806 : vector<1x1x16xf32> to vector<16xf32>
        %swap3A_808 = vector.shape_cast %mul3A_802 : vector<16xf32> to vector<1x1x16xf32>
        tpu.vector_store %arg6[%swap3A_803, %swap3A_804, %swap3A_805], %swap3A_808 {strides = array<i32>} : memref<7x16x1024xf32, #tpu.memory_space<vmem>>, vector<1x1x16xf32>,
        %get3A_809 = arith.index_cast %rem3A_173 : i32 to index
        %get3A_810 = arith.index_cast %scan3A_221 : i32 to index
        %get3A_811 = arith.constant 672 : index
        %get3A_812 = tpu.vector_load %arg6[%get3A_809, %get3A_810, %get3A_811] {strides = array<i32>} : memref<7x16x1024xf32, #tpu.memory_space<vmem>>, vector<1x1x16xf32>,
        %get3A_813 = vector.shape_cast %get3A_812 : vector<1x1x16xf32> to vector<16xf32>
        %mul3A_814 = arith.constant 3.200000e+01 : f32
        %mul3A_815 = vector.broadcast %mul3A_814 : f32 to vector<16xf32>
        %mul3A_816 = arith.mulf %get3A_813, %mul3A_815 : vector<16xf32>
        %swap3A_817 = arith.index_cast %rem3A_173 : i32 to index
        %swap3A_818 = arith.index_cast %scan3A_221 : i32 to index
        %swap3A_819 = arith.constant 672 : index
        %swap3A_820 = tpu.vector_load %arg6[%swap3A_817, %swap3A_818, %swap3A_819] {strides = array<i32>} : memref<7x16x1024xf32, #tpu.memory_space<vmem>>, vector<1x1x16xf32>,
        %swap3A_821 = vector.shape_cast %swap3A_820 : vector<1x1x16xf32> to vector<16xf32>
        %swap3A_822 = vector.shape_cast %mul3A_816 : vector<16xf32> to vector<1x1x16xf32>
        tpu.vector_store %arg6[%swap3A_817, %swap3A_818, %swap3A_819], %swap3A_822 {strides = array<i32>} : memref<7x16x1024xf32, #tpu.memory_space<vmem>>, vector<1x1x16xf32>,
        %get3A_823 = arith.index_cast %rem3A_173 : i32 to index
        %get3A_824 = arith.index_cast %scan3A_221 : i32 to index
        %get3A_825 = arith.constant 688 : index
        %get3A_826 = tpu.vector_load %arg6[%get3A_823, %get3A_824, %get3A_825] {strides = array<i32>} : memref<7x16x1024xf32, #tpu.memory_space<vmem>>, vector<1x1x16xf32>,
        %get3A_827 = vector.shape_cast %get3A_826 : vector<1x1x16xf32> to vector<16xf32>
        %mul3A_828 = arith.constant 3.200000e+01 : f32
        %mul3A_829 = vector.broadcast %mul3A_828 : f32 to vector<16xf32>
        %mul3A_830 = arith.mulf %get3A_827, %mul3A_829 : vector<16xf32>
        %swap3A_831 = arith.index_cast %rem3A_173 : i32 to index
        %swap3A_832 = arith.index_cast %scan3A_221 : i32 to index
        %swap3A_833 = arith.constant 688 : index
        %swap3A_834 = tpu.vector_load %arg6[%swap3A_831, %swap3A_832, %swap3A_833] {strides = array<i32>} : memref<7x16x1024xf32, #tpu.memory_space<vmem>>, vector<1x1x16xf32>,
        %swap3A_835 = vector.shape_cast %swap3A_834 : vector<1x1x16xf32> to vector<16xf32>
        %swap3A_836 = vector.shape_cast %mul3A_830 : vector<16xf32> to vector<1x1x16xf32>
        tpu.vector_store %arg6[%swap3A_831, %swap3A_832, %swap3A_833], %swap3A_836 {strides = array<i32>} : memref<7x16x1024xf32, #tpu.memory_space<vmem>>, vector<1x1x16xf32>,
        %get3A_837 = arith.index_cast %rem3A_173 : i32 to index
        %get3A_838 = arith.index_cast %scan3A_221 : i32 to index
        %get3A_839 = arith.constant 704 : index
        %get3A_840 = tpu.vector_load %arg6[%get3A_837, %get3A_838, %get3A_839] {strides = array<i32>} : memref<7x16x1024xf32, #tpu.memory_space<vmem>>, vector<1x1x16xf32>,
        %get3A_841 = vector.shape_cast %get3A_840 : vector<1x1x16xf32> to vector<16xf32>
        %mul3A_842 = arith.constant 3.200000e+01 : f32
        %mul3A_843 = vector.broadcast %mul3A_842 : f32 to vector<16xf32>
        %mul3A_844 = arith.mulf %get3A_841, %mul3A_843 : vector<16xf32>
        %swap3A_845 = arith.index_cast %rem3A_173 : i32 to index
        %swap3A_846 = arith.index_cast %scan3A_221 : i32 to index
        %swap3A_847 = arith.constant 704 : index
        %swap3A_848 = tpu.vector_load %arg6[%swap3A_845, %swap3A_846, %swap3A_847] {strides = array<i32>} : memref<7x16x1024xf32, #tpu.memory_space<vmem>>, vector<1x1x16xf32>,
        %swap3A_849 = vector.shape_cast %swap3A_848 : vector<1x1x16xf32> to vector<16xf32>
        %swap3A_850 = vector.shape_cast %mul3A_844 : vector<16xf32> to vector<1x1x16xf32>
        tpu.vector_store %arg6[%swap3A_845, %swap3A_846, %swap3A_847], %swap3A_850 {strides = array<i32>} : memref<7x16x1024xf32, #tpu.memory_space<vmem>>, vector<1x1x16xf32>,
        %get3A_851 = arith.index_cast %rem3A_173 : i32 to index
        %get3A_852 = arith.index_cast %scan3A_221 : i32 to index
        %get3A_853 = arith.constant 720 : index
        %get3A_854 = tpu.vector_load %arg6[%get3A_851, %get3A_852, %get3A_853] {strides = array<i32>} : memref<7x16x1024xf32, #tpu.memory_space<vmem>>, vector<1x1x16xf32>,
        %get3A_855 = vector.shape_cast %get3A_854 : vector<1x1x16xf32> to vector<16xf32>
        %mul3A_856 = arith.constant 3.200000e+01 : f32
        %mul3A_857 = vector.broadcast %mul3A_856 : f32 to vector<16xf32>
        %mul3A_858 = arith.mulf %get3A_855, %mul3A_857 : vector<16xf32>
        %swap3A_859 = arith.index_cast %rem3A_173 : i32 to index
        %swap3A_860 = arith.index_cast %scan3A_221 : i32 to index
        %swap3A_861 = arith.constant 720 : index
        %swap3A_862 = tpu.vector_load %arg6[%swap3A_859, %swap3A_860, %swap3A_861] {strides = array<i32>} : memref<7x16x1024xf32, #tpu.memory_space<vmem>>, vector<1x1x16xf32>,
        %swap3A_863 = vector.shape_cast %swap3A_862 : vector<1x1x16xf32> to vector<16xf32>
        %swap3A_864 = vector.shape_cast %mul3A_858 : vector<16xf32> to vector<1x1x16xf32>
        tpu.vector_store %arg6[%swap3A_859, %swap3A_860, %swap3A_861], %swap3A_864 {strides = array<i32>} : memref<7x16x1024xf32, #tpu.memory_space<vmem>>, vector<1x1x16xf32>,
        %get3A_865 = arith.index_cast %rem3A_173 : i32 to index
        %get3A_866 = arith.index_cast %scan3A_221 : i32 to index
        %get3A_867 = arith.constant 736 : index
        %get3A_868 = tpu.vector_load %arg6[%get3A_865, %get3A_866, %get3A_867] {strides = array<i32>} : memref<7x16x1024xf32, #tpu.memory_space<vmem>>, vector<1x1x16xf32>,
        %get3A_869 = vector.shape_cast %get3A_868 : vector<1x1x16xf32> to vector<16xf32>
        %mul3A_870 = arith.constant 3.200000e+01 : f32
        %mul3A_871 = vector.broadcast %mul3A_870 : f32 to vector<16xf32>
        %mul3A_872 = arith.mulf %get3A_869, %mul3A_871 : vector<16xf32>
        %swap3A_873 = arith.index_cast %rem3A_173 : i32 to index
        %swap3A_874 = arith.index_cast %scan3A_221 : i32 to index
        %swap3A_875 = arith.constant 736 : index
        %swap3A_876 = tpu.vector_load %arg6[%swap3A_873, %swap3A_874, %swap3A_875] {strides = array<i32>} : memref<7x16x1024xf32, #tpu.memory_space<vmem>>, vector<1x1x16xf32>,
        %swap3A_877 = vector.shape_cast %swap3A_876 : vector<1x1x16xf32> to vector<16xf32>
        %swap3A_878 = vector.shape_cast %mul3A_872 : vector<16xf32> to vector<1x1x16xf32>
        tpu.vector_store %arg6[%swap3A_873, %swap3A_874, %swap3A_875], %swap3A_878 {strides = array<i32>} : memref<7x16x1024xf32, #tpu.memory_space<vmem>>, vector<1x1x16xf32>,
        %get3A_879 = arith.index_cast %rem3A_173 : i32 to index
        %get3A_880 = arith.index_cast %scan3A_221 : i32 to index
        %get3A_881 = arith.constant 752 : index
        %get3A_882 = tpu.vector_load %arg6[%get3A_879, %get3A_880, %get3A_881] {strides = array<i32>} : memref<7x16x1024xf32, #tpu.memory_space<vmem>>, vector<1x1x16xf32>,
        %get3A_883 = vector.shape_cast %get3A_882 : vector<1x1x16xf32> to vector<16xf32>
        %mul3A_884 = arith.constant 3.200000e+01 : f32
        %mul3A_885 = vector.broadcast %mul3A_884 : f32 to vector<16xf32>
        %mul3A_886 = arith.mulf %get3A_883, %mul3A_885 : vector<16xf32>
        %swap3A_887 = arith.index_cast %rem3A_173 : i32 to index
        %swap3A_888 = arith.index_cast %scan3A_221 : i32 to index
        %swap3A_889 = arith.constant 752 : index
        %swap3A_890 = tpu.vector_load %arg6[%swap3A_887, %swap3A_888, %swap3A_889] {strides = array<i32>} : memref<7x16x1024xf32, #tpu.memory_space<vmem>>, vector<1x1x16xf32>,
        %swap3A_891 = vector.shape_cast %swap3A_890 : vector<1x1x16xf32> to vector<16xf32>
        %swap3A_892 = vector.shape_cast %mul3A_886 : vector<16xf32> to vector<1x1x16xf32>
        tpu.vector_store %arg6[%swap3A_887, %swap3A_888, %swap3A_889], %swap3A_892 {strides = array<i32>} : memref<7x16x1024xf32, #tpu.memory_space<vmem>>, vector<1x1x16xf32>,
        %get3A_893 = arith.index_cast %rem3A_173 : i32 to index
        %get3A_894 = arith.index_cast %scan3A_221 : i32 to index
        %get3A_895 = arith.constant 768 : index
        %get3A_896 = tpu.vector_load %arg6[%get3A_893, %get3A_894, %get3A_895] {strides = array<i32>} : memref<7x16x1024xf32, #tpu.memory_space<vmem>>, vector<1x1x16xf32>,
        %get3A_897 = vector.shape_cast %get3A_896 : vector<1x1x16xf32> to vector<16xf32>
        %mul3A_898 = arith.constant 3.200000e+01 : f32
        %mul3A_899 = vector.broadcast %mul3A_898 : f32 to vector<16xf32>
        %mul3A_900 = arith.mulf %get3A_897, %mul3A_899 : vector<16xf32>
        %swap3A_901 = arith.index_cast %rem3A_173 : i32 to index
        %swap3A_902 = arith.index_cast %scan3A_221 : i32 to index
        %swap3A_903 = arith.constant 768 : index
        %swap3A_904 = tpu.vector_load %arg6[%swap3A_901, %swap3A_902, %swap3A_903] {strides = array<i32>} : memref<7x16x1024xf32, #tpu.memory_space<vmem>>, vector<1x1x16xf32>,
        %swap3A_905 = vector.shape_cast %swap3A_904 : vector<1x1x16xf32> to vector<16xf32>
        %swap3A_906 = vector.shape_cast %mul3A_900 : vector<16xf32> to vector<1x1x16xf32>
        tpu.vector_store %arg6[%swap3A_901, %swap3A_902, %swap3A_903], %swap3A_906 {strides = array<i32>} : memref<7x16x1024xf32, #tpu.memory_space<vmem>>, vector<1x1x16xf32>,
        %get3A_907 = arith.index_cast %rem3A_173 : i32 to index
        %get3A_908 = arith.index_cast %scan3A_221 : i32 to index
        %get3A_909 = arith.constant 784 : index
        %get3A_910 = tpu.vector_load %arg6[%get3A_907, %get3A_908, %get3A_909] {strides = array<i32>} : memref<7x16x1024xf32, #tpu.memory_space<vmem>>, vector<1x1x16xf32>,
        %get3A_911 = vector.shape_cast %get3A_910 : vector<1x1x16xf32> to vector<16xf32>
        %mul3A_912 = arith.constant 3.200000e+01 : f32
        %mul3A_913 = vector.broadcast %mul3A_912 : f32 to vector<16xf32>
        %mul3A_914 = arith.mulf %get3A_911, %mul3A_913 : vector<16xf32>
        %swap3A_915 = arith.index_cast %rem3A_173 : i32 to index
        %swap3A_916 = arith.index_cast %scan3A_221 : i32 to index
        %swap3A_917 = arith.constant 784 : index
        %swap3A_918 = tpu.vector_load %arg6[%swap3A_915, %swap3A_916, %swap3A_917] {strides = array<i32>} : memref<7x16x1024xf32, #tpu.memory_space<vmem>>, vector<1x1x16xf32>,
        %swap3A_919 = vector.shape_cast %swap3A_918 : vector<1x1x16xf32> to vector<16xf32>
        %swap3A_920 = vector.shape_cast %mul3A_914 : vector<16xf32> to vector<1x1x16xf32>
        tpu.vector_store %arg6[%swap3A_915, %swap3A_916, %swap3A_917], %swap3A_920 {strides = array<i32>} : memref<7x16x1024xf32, #tpu.memory_space<vmem>>, vector<1x1x16xf32>,
        %get3A_921 = arith.index_cast %rem3A_173 : i32 to index
        %get3A_922 = arith.index_cast %scan3A_221 : i32 to index
        %get3A_923 = arith.constant 800 : index
        %get3A_924 = tpu.vector_load %arg6[%get3A_921, %get3A_922, %get3A_923] {strides = array<i32>} : memref<7x16x1024xf32, #tpu.memory_space<vmem>>, vector<1x1x16xf32>,
        %get3A_925 = vector.shape_cast %get3A_924 : vector<1x1x16xf32> to vector<16xf32>
        %mul3A_926 = arith.constant 3.200000e+01 : f32
        %mul3A_927 = vector.broadcast %mul3A_926 : f32 to vector<16xf32>
        %mul3A_928 = arith.mulf %get3A_925, %mul3A_927 : vector<16xf32>
        %swap3A_929 = arith.index_cast %rem3A_173 : i32 to index
        %swap3A_930 = arith.index_cast %scan3A_221 : i32 to index
        %swap3A_931 = arith.constant 800 : index
        %swap3A_932 = tpu.vector_load %arg6[%swap3A_929, %swap3A_930, %swap3A_931] {strides = array<i32>} : memref<7x16x1024xf32, #tpu.memory_space<vmem>>, vector<1x1x16xf32>,
        %swap3A_933 = vector.shape_cast %swap3A_932 : vector<1x1x16xf32> to vector<16xf32>
        %swap3A_934 = vector.shape_cast %mul3A_928 : vector<16xf32> to vector<1x1x16xf32>
        tpu.vector_store %arg6[%swap3A_929, %swap3A_930, %swap3A_931], %swap3A_934 {strides = array<i32>} : memref<7x16x1024xf32, #tpu.memory_space<vmem>>, vector<1x1x16xf32>,
        %get3A_935 = arith.index_cast %rem3A_173 : i32 to index
        %get3A_936 = arith.index_cast %scan3A_221 : i32 to index
        %get3A_937 = arith.constant 816 : index
        %get3A_938 = tpu.vector_load %arg6[%get3A_935, %get3A_936, %get3A_937] {strides = array<i32>} : memref<7x16x1024xf32, #tpu.memory_space<vmem>>, vector<1x1x16xf32>,
        %get3A_939 = vector.shape_cast %get3A_938 : vector<1x1x16xf32> to vector<16xf32>
        %mul3A_940 = arith.constant 3.200000e+01 : f32
        %mul3A_941 = vector.broadcast %mul3A_940 : f32 to vector<16xf32>
        %mul3A_942 = arith.mulf %get3A_939, %mul3A_941 : vector<16xf32>
        %swap3A_943 = arith.index_cast %rem3A_173 : i32 to index
        %swap3A_944 = arith.index_cast %scan3A_221 : i32 to index
        %swap3A_945 = arith.constant 816 : index
        %swap3A_946 = tpu.vector_load %arg6[%swap3A_943, %swap3A_944, %swap3A_945] {strides = array<i32>} : memref<7x16x1024xf32, #tpu.memory_space<vmem>>, vector<1x1x16xf32>,
        %swap3A_947 = vector.shape_cast %swap3A_946 : vector<1x1x16xf32> to vector<16xf32>
        %swap3A_948 = vector.shape_cast %mul3A_942 : vector<16xf32> to vector<1x1x16xf32>
        tpu.vector_store %arg6[%swap3A_943, %swap3A_944, %swap3A_945], %swap3A_948 {strides = array<i32>} : memref<7x16x1024xf32, #tpu.memory_space<vmem>>, vector<1x1x16xf32>,
        %get3A_949 = arith.index_cast %rem3A_173 : i32 to index
        %get3A_950 = arith.index_cast %scan3A_221 : i32 to index
        %get3A_951 = arith.constant 832 : index
        %get3A_952 = tpu.vector_load %arg6[%get3A_949, %get3A_950, %get3A_951] {strides = array<i32>} : memref<7x16x1024xf32, #tpu.memory_space<vmem>>, vector<1x1x16xf32>,
        %get3A_953 = vector.shape_cast %get3A_952 : vector<1x1x16xf32> to vector<16xf32>
        %mul3A_954 = arith.constant 3.200000e+01 : f32
        %mul3A_955 = vector.broadcast %mul3A_954 : f32 to vector<16xf32>
        %mul3A_956 = arith.mulf %get3A_953, %mul3A_955 : vector<16xf32>
        %swap3A_957 = arith.index_cast %rem3A_173 : i32 to index
        %swap3A_958 = arith.index_cast %scan3A_221 : i32 to index
        %swap3A_959 = arith.constant 832 : index
        %swap3A_960 = tpu.vector_load %arg6[%swap3A_957, %swap3A_958, %swap3A_959] {strides = array<i32>} : memref<7x16x1024xf32, #tpu.memory_space<vmem>>, vector<1x1x16xf32>,
        %swap3A_961 = vector.shape_cast %swap3A_960 : vector<1x1x16xf32> to vector<16xf32>
        %swap3A_962 = vector.shape_cast %mul3A_956 : vector<16xf32> to vector<1x1x16xf32>
        tpu.vector_store %arg6[%swap3A_957, %swap3A_958, %swap3A_959], %swap3A_962 {strides = array<i32>} : memref<7x16x1024xf32, #tpu.memory_space<vmem>>, vector<1x1x16xf32>,
        %get3A_963 = arith.index_cast %rem3A_173 : i32 to index
        %get3A_964 = arith.index_cast %scan3A_221 : i32 to index
        %get3A_965 = arith.constant 848 : index
        %get3A_966 = tpu.vector_load %arg6[%get3A_963, %get3A_964, %get3A_965] {strides = array<i32>} : memref<7x16x1024xf32, #tpu.memory_space<vmem>>, vector<1x1x16xf32>,
        %get3A_967 = vector.shape_cast %get3A_966 : vector<1x1x16xf32> to vector<16xf32>
        %mul3A_968 = arith.constant 3.200000e+01 : f32
        %mul3A_969 = vector.broadcast %mul3A_968 : f32 to vector<16xf32>
        %mul3A_970 = arith.mulf %get3A_967, %mul3A_969 : vector<16xf32>
        %swap3A_971 = arith.index_cast %rem3A_173 : i32 to index
        %swap3A_972 = arith.index_cast %scan3A_221 : i32 to index
        %swap3A_973 = arith.constant 848 : index
        %swap3A_974 = tpu.vector_load %arg6[%swap3A_971, %swap3A_972, %swap3A_973] {strides = array<i32>} : memref<7x16x1024xf32, #tpu.memory_space<vmem>>, vector<1x1x16xf32>,
        %swap3A_975 = vector.shape_cast %swap3A_974 : vector<1x1x16xf32> to vector<16xf32>
        %swap3A_976 = vector.shape_cast %mul3A_970 : vector<16xf32> to vector<1x1x16xf32>
        tpu.vector_store %arg6[%swap3A_971, %swap3A_972, %swap3A_973], %swap3A_976 {strides = array<i32>} : memref<7x16x1024xf32, #tpu.memory_space<vmem>>, vector<1x1x16xf32>,
        %get3A_977 = arith.index_cast %rem3A_173 : i32 to index
        %get3A_978 = arith.index_cast %scan3A_221 : i32 to index
        %get3A_979 = arith.constant 864 : index
        %get3A_980 = tpu.vector_load %arg6[%get3A_977, %get3A_978, %get3A_979] {strides = array<i32>} : memref<7x16x1024xf32, #tpu.memory_space<vmem>>, vector<1x1x16xf32>,
        %get3A_981 = vector.shape_cast %get3A_980 : vector<1x1x16xf32> to vector<16xf32>
        %mul3A_982 = arith.constant 3.200000e+01 : f32
        %mul3A_983 = vector.broadcast %mul3A_982 : f32 to vector<16xf32>
        %mul3A_984 = arith.mulf %get3A_981, %mul3A_983 : vector<16xf32>
        %swap3A_985 = arith.index_cast %rem3A_173 : i32 to index
        %swap3A_986 = arith.index_cast %scan3A_221 : i32 to index
        %swap3A_987 = arith.constant 864 : index
        %swap3A_988 = tpu.vector_load %arg6[%swap3A_985, %swap3A_986, %swap3A_987] {strides = array<i32>} : memref<7x16x1024xf32, #tpu.memory_space<vmem>>, vector<1x1x16xf32>,
        %swap3A_989 = vector.shape_cast %swap3A_988 : vector<1x1x16xf32> to vector<16xf32>
        %swap3A_990 = vector.shape_cast %mul3A_984 : vector<16xf32> to vector<1x1x16xf32>
        tpu.vector_store %arg6[%swap3A_985, %swap3A_986, %swap3A_987], %swap3A_990 {strides = array<i32>} : memref<7x16x1024xf32, #tpu.memory_space<vmem>>, vector<1x1x16xf32>,
        %get3A_991 = arith.index_cast %rem3A_173 : i32 to index
        %get3A_992 = arith.index_cast %scan3A_221 : i32 to index
        %get3A_993 = arith.constant 880 : index
        %get3A_994 = tpu.vector_load %arg6[%get3A_991, %get3A_992, %get3A_993] {strides = array<i32>} : memref<7x16x1024xf32, #tpu.memory_space<vmem>>, vector<1x1x16xf32>,
        %get3A_995 = vector.shape_cast %get3A_994 : vector<1x1x16xf32> to vector<16xf32>
        %mul3A_996 = arith.constant 3.200000e+01 : f32
        %mul3A_997 = vector.broadcast %mul3A_996 : f32 to vector<16xf32>
        %mul3A_998 = arith.mulf %get3A_995, %mul3A_997 : vector<16xf32>
        %swap3A_999 = arith.index_cast %rem3A_173 : i32 to index
        %swap3A_1000 = arith.index_cast %scan3A_221 : i32 to index
        %swap3A_1001 = arith.constant 880 : index
        %swap3A_1002 = tpu.vector_load %arg6[%swap3A_999, %swap3A_1000, %swap3A_1001] {strides = array<i32>} : memref<7x16x1024xf32, #tpu.memory_space<vmem>>, vector<1x1x16xf32>,
        %swap3A_1003 = vector.shape_cast %swap3A_1002 : vector<1x1x16xf32> to vector<16xf32>
        %swap3A_1004 = vector.shape_cast %mul3A_998 : vector<16xf32> to vector<1x1x16xf32>
        tpu.vector_store %arg6[%swap3A_999, %swap3A_1000, %swap3A_1001], %swap3A_1004 {strides = array<i32>} : memref<7x16x1024xf32, #tpu.memory_space<vmem>>, vector<1x1x16xf32>,
        %get3A_1005 = arith.index_cast %rem3A_173 : i32 to index
        %get3A_1006 = arith.index_cast %scan3A_221 : i32 to index
        %get3A_1007 = arith.constant 896 : index
        %get3A_1008 = tpu.vector_load %arg6[%get3A_1005, %get3A_1006, %get3A_1007] {strides = array<i32>} : memref<7x16x1024xf32, #tpu.memory_space<vmem>>, vector<1x1x16xf32>,
        %get3A_1009 = vector.shape_cast %get3A_1008 : vector<1x1x16xf32> to vector<16xf32>
        %mul3A_1010 = arith.constant 3.200000e+01 : f32
        %mul3A_1011 = vector.broadcast %mul3A_1010 : f32 to vector<16xf32>
        %mul3A_1012 = arith.mulf %get3A_1009, %mul3A_1011 : vector<16xf32>
        %swap3A_1013 = arith.index_cast %rem3A_173 : i32 to index
        %swap3A_1014 = arith.index_cast %scan3A_221 : i32 to index
        %swap3A_1015 = arith.constant 896 : index
        %swap3A_1016 = tpu.vector_load %arg6[%swap3A_1013, %swap3A_1014, %swap3A_1015] {strides = array<i32>} : memref<7x16x1024xf32, #tpu.memory_space<vmem>>, vector<1x1x16xf32>,
        %swap3A_1017 = vector.shape_cast %swap3A_1016 : vector<1x1x16xf32> to vector<16xf32>
        %swap3A_1018 = vector.shape_cast %mul3A_1012 : vector<16xf32> to vector<1x1x16xf32>
        tpu.vector_store %arg6[%swap3A_1013, %swap3A_1014, %swap3A_1015], %swap3A_1018 {strides = array<i32>} : memref<7x16x1024xf32, #tpu.memory_space<vmem>>, vector<1x1x16xf32>,
        %get3A_1019 = arith.index_cast %rem3A_173 : i32 to index
        %get3A_1020 = arith.index_cast %scan3A_221 : i32 to index
        %get3A_1021 = arith.constant 912 : index
        %get3A_1022 = tpu.vector_load %arg6[%get3A_1019, %get3A_1020, %get3A_1021] {strides = array<i32>} : memref<7x16x1024xf32, #tpu.memory_space<vmem>>, vector<1x1x16xf32>,
        %get3A_1023 = vector.shape_cast %get3A_1022 : vector<1x1x16xf32> to vector<16xf32>
        %mul3A_1024 = arith.constant 3.200000e+01 : f32
        %mul3A_1025 = vector.broadcast %mul3A_1024 : f32 to vector<16xf32>
        %mul3A_1026 = arith.mulf %get3A_1023, %mul3A_1025 : vector<16xf32>
        %swap3A_1027 = arith.index_cast %rem3A_173 : i32 to index
        %swap3A_1028 = arith.index_cast %scan3A_221 : i32 to index
        %swap3A_1029 = arith.constant 912 : index
        %swap3A_1030 = tpu.vector_load %arg6[%swap3A_1027, %swap3A_1028, %swap3A_1029] {strides = array<i32>} : memref<7x16x1024xf32, #tpu.memory_space<vmem>>, vector<1x1x16xf32>,
        %swap3A_1031 = vector.shape_cast %swap3A_1030 : vector<1x1x16xf32> to vector<16xf32>
        %swap3A_1032 = vector.shape_cast %mul3A_1026 : vector<16xf32> to vector<1x1x16xf32>
        tpu.vector_store %arg6[%swap3A_1027, %swap3A_1028, %swap3A_1029], %swap3A_1032 {strides = array<i32>} : memref<7x16x1024xf32, #tpu.memory_space<vmem>>, vector<1x1x16xf32>,
        %get3A_1033 = arith.index_cast %rem3A_173 : i32 to index
        %get3A_1034 = arith.index_cast %scan3A_221 : i32 to index
        %get3A_1035 = arith.constant 928 : index
        %get3A_1036 = tpu.vector_load %arg6[%get3A_1033, %get3A_1034, %get3A_1035] {strides = array<i32>} : memref<7x16x1024xf32, #tpu.memory_space<vmem>>, vector<1x1x16xf32>,
        %get3A_1037 = vector.shape_cast %get3A_1036 : vector<1x1x16xf32> to vector<16xf32>
        %mul3A_1038 = arith.constant 3.200000e+01 : f32
        %mul3A_1039 = vector.broadcast %mul3A_1038 : f32 to vector<16xf32>
        %mul3A_1040 = arith.mulf %get3A_1037, %mul3A_1039 : vector<16xf32>
        %swap3A_1041 = arith.index_cast %rem3A_173 : i32 to index
        %swap3A_1042 = arith.index_cast %scan3A_221 : i32 to index
        %swap3A_1043 = arith.constant 928 : index
        %swap3A_1044 = tpu.vector_load %arg6[%swap3A_1041, %swap3A_1042, %swap3A_1043] {strides = array<i32>} : memref<7x16x1024xf32, #tpu.memory_space<vmem>>, vector<1x1x16xf32>,
        %swap3A_1045 = vector.shape_cast %swap3A_1044 : vector<1x1x16xf32> to vector<16xf32>
        %swap3A_1046 = vector.shape_cast %mul3A_1040 : vector<16xf32> to vector<1x1x16xf32>
        tpu.vector_store %arg6[%swap3A_1041, %swap3A_1042, %swap3A_1043], %swap3A_1046 {strides = array<i32>} : memref<7x16x1024xf32, #tpu.memory_space<vmem>>, vector<1x1x16xf32>,
        %get3A_1047 = arith.index_cast %rem3A_173 : i32 to index
        %get3A_1048 = arith.index_cast %scan3A_221 : i32 to index
        %get3A_1049 = arith.constant 944 : index
        %get3A_1050 = tpu.vector_load %arg6[%get3A_1047, %get3A_1048, %get3A_1049] {strides = array<i32>} : memref<7x16x1024xf32, #tpu.memory_space<vmem>>, vector<1x1x16xf32>,
        %get3A_1051 = vector.shape_cast %get3A_1050 : vector<1x1x16xf32> to vector<16xf32>
        %mul3A_1052 = arith.constant 3.200000e+01 : f32
        %mul3A_1053 = vector.broadcast %mul3A_1052 : f32 to vector<16xf32>
        %mul3A_1054 = arith.mulf %get3A_1051, %mul3A_1053 : vector<16xf32>
        %swap3A_1055 = arith.index_cast %rem3A_173 : i32 to index
        %swap3A_1056 = arith.index_cast %scan3A_221 : i32 to index
        %swap3A_1057 = arith.constant 944 : index
        %swap3A_1058 = tpu.vector_load %arg6[%swap3A_1055, %swap3A_1056, %swap3A_1057] {strides = array<i32>} : memref<7x16x1024xf32, #tpu.memory_space<vmem>>, vector<1x1x16xf32>,
        %swap3A_1059 = vector.shape_cast %swap3A_1058 : vector<1x1x16xf32> to vector<16xf32>
        %swap3A_1060 = vector.shape_cast %mul3A_1054 : vector<16xf32> to vector<1x1x16xf32>
        tpu.vector_store %arg6[%swap3A_1055, %swap3A_1056, %swap3A_1057], %swap3A_1060 {strides = array<i32>} : memref<7x16x1024xf32, #tpu.memory_space<vmem>>, vector<1x1x16xf32>,
        %get3A_1061 = arith.index_cast %rem3A_173 : i32 to index
        %get3A_1062 = arith.index_cast %scan3A_221 : i32 to index
        %get3A_1063 = arith.constant 960 : index
        %get3A_1064 = tpu.vector_load %arg6[%get3A_1061, %get3A_1062, %get3A_1063] {strides = array<i32>} : memref<7x16x1024xf32, #tpu.memory_space<vmem>>, vector<1x1x16xf32>,
        %get3A_1065 = vector.shape_cast %get3A_1064 : vector<1x1x16xf32> to vector<16xf32>
        %mul3A_1066 = arith.constant 3.200000e+01 : f32
        %mul3A_1067 = vector.broadcast %mul3A_1066 : f32 to vector<16xf32>
        %mul3A_1068 = arith.mulf %get3A_1065, %mul3A_1067 : vector<16xf32>
        %swap3A_1069 = arith.index_cast %rem3A_173 : i32 to index
        %swap3A_1070 = arith.index_cast %scan3A_221 : i32 to index
        %swap3A_1071 = arith.constant 960 : index
        %swap3A_1072 = tpu.vector_load %arg6[%swap3A_1069, %swap3A_1070, %swap3A_1071] {strides = array<i32>} : memref<7x16x1024xf32, #tpu.memory_space<vmem>>, vector<1x1x16xf32>,
        %swap3A_1073 = vector.shape_cast %swap3A_1072 : vector<1x1x16xf32> to vector<16xf32>
        %swap3A_1074 = vector.shape_cast %mul3A_1068 : vector<16xf32> to vector<1x1x16xf32>
        tpu.vector_store %arg6[%swap3A_1069, %swap3A_1070, %swap3A_1071], %swap3A_1074 {strides = array<i32>} : memref<7x16x1024xf32, #tpu.memory_space<vmem>>, vector<1x1x16xf32>,
        %get3A_1075 = arith.index_cast %rem3A_173 : i32 to index
        %get3A_1076 = arith.index_cast %scan3A_221 : i32 to index
        %get3A_1077 = arith.constant 976 : index
        %get3A_1078 = tpu.vector_load %arg6[%get3A_1075, %get3A_1076, %get3A_1077] {strides = array<i32>} : memref<7x16x1024xf32, #tpu.memory_space<vmem>>, vector<1x1x16xf32>,
        %get3A_1079 = vector.shape_cast %get3A_1078 : vector<1x1x16xf32> to vector<16xf32>
        %mul3A_1080 = arith.constant 3.200000e+01 : f32
        %mul3A_1081 = vector.broadcast %mul3A_1080 : f32 to vector<16xf32>
        %mul3A_1082 = arith.mulf %get3A_1079, %mul3A_1081 : vector<16xf32>
        %swap3A_1083 = arith.index_cast %rem3A_173 : i32 to index
        %swap3A_1084 = arith.index_cast %scan3A_221 : i32 to index
        %swap3A_1085 = arith.constant 976 : index
        %swap3A_1086 = tpu.vector_load %arg6[%swap3A_1083, %swap3A_1084, %swap3A_1085] {strides = array<i32>} : memref<7x16x1024xf32, #tpu.memory_space<vmem>>, vector<1x1x16xf32>,
        %swap3A_1087 = vector.shape_cast %swap3A_1086 : vector<1x1x16xf32> to vector<16xf32>
        %swap3A_1088 = vector.shape_cast %mul3A_1082 : vector<16xf32> to vector<1x1x16xf32>
        tpu.vector_store %arg6[%swap3A_1083, %swap3A_1084, %swap3A_1085], %swap3A_1088 {strides = array<i32>} : memref<7x16x1024xf32, #tpu.memory_space<vmem>>, vector<1x1x16xf32>,
        %get3A_1089 = arith.index_cast %rem3A_173 : i32 to index
        %get3A_1090 = arith.index_cast %scan3A_221 : i32 to index
        %get3A_1091 = arith.constant 992 : index
        %get3A_1092 = tpu.vector_load %arg6[%get3A_1089, %get3A_1090, %get3A_1091] {strides = array<i32>} : memref<7x16x1024xf32, #tpu.memory_space<vmem>>, vector<1x1x16xf32>,
        %get3A_1093 = vector.shape_cast %get3A_1092 : vector<1x1x16xf32> to vector<16xf32>
        %mul3A_1094 = arith.constant 3.200000e+01 : f32
        %mul3A_1095 = vector.broadcast %mul3A_1094 : f32 to vector<16xf32>
        %mul3A_1096 = arith.mulf %get3A_1093, %mul3A_1095 : vector<16xf32>
        %swap3A_1097 = arith.index_cast %rem3A_173 : i32 to index
        %swap3A_1098 = arith.index_cast %scan3A_221 : i32 to index
        %swap3A_1099 = arith.constant 992 : index
        %swap3A_1100 = tpu.vector_load %arg6[%swap3A_1097, %swap3A_1098, %swap3A_1099] {strides = array<i32>} : memref<7x16x1024xf32, #tpu.memory_space<vmem>>, vector<1x1x16xf32>,
        %swap3A_1101 = vector.shape_cast %swap3A_1100 : vector<1x1x16xf32> to vector<16xf32>
        %swap3A_1102 = vector.shape_cast %mul3A_1096 : vector<16xf32> to vector<1x1x16xf32>
        tpu.vector_store %arg6[%swap3A_1097, %swap3A_1098, %swap3A_1099], %swap3A_1102 {strides = array<i32>} : memref<7x16x1024xf32, #tpu.memory_space<vmem>>, vector<1x1x16xf32>,
        %get3A_1103 = arith.index_cast %rem3A_173 : i32 to index
        %get3A_1104 = arith.index_cast %scan3A_221 : i32 to index
        %get3A_1105 = arith.constant 1008 : index
        %get3A_1106 = tpu.vector_load %arg6[%get3A_1103, %get3A_1104, %get3A_1105] {strides = array<i32>} : memref<7x16x1024xf32, #tpu.memory_space<vmem>>, vector<1x1x16xf32>,
        %get3A_1107 = vector.shape_cast %get3A_1106 : vector<1x1x16xf32> to vector<16xf32>
        %mul3A_1108 = arith.constant 3.200000e+01 : f32
        %mul3A_1109 = vector.broadcast %mul3A_1108 : f32 to vector<16xf32>
        %mul3A_1110 = arith.mulf %get3A_1107, %mul3A_1109 : vector<16xf32>
        %swap3A_1111 = arith.index_cast %rem3A_173 : i32 to index
        %swap3A_1112 = arith.index_cast %scan3A_221 : i32 to index
        %swap3A_1113 = arith.constant 1008 : index
        %swap3A_1114 = tpu.vector_load %arg6[%swap3A_1111, %swap3A_1112, %swap3A_1113] {strides = array<i32>} : memref<7x16x1024xf32, #tpu.memory_space<vmem>>, vector<1x1x16xf32>,
        %swap3A_1115 = vector.shape_cast %swap3A_1114 : vector<1x1x16xf32> to vector<16xf32>
        %swap3A_1116 = vector.shape_cast %mul3A_1110 : vector<16xf32> to vector<1x1x16xf32>
        tpu.vector_store %arg6[%swap3A_1111, %swap3A_1112, %swap3A_1113], %swap3A_1116 {strides = array<i32>} : memref<7x16x1024xf32, #tpu.memory_space<vmem>>, vector<1x1x16xf32>,
        %scan3A_1117 = arith.constant 0 : i32
        scf.yield %scan3A_1117 : i32
      }
      %scan3A_202 = arith.constant 16 : i32
      %mul3A_203 = arith.constant 16 : i32
      %mul3A_204 = arith.muli %scan3A_171, %mul3A_203 : i32
      %add3A_205 = arith.addi %mul3A_2, %mul3A_204 : i32
      %dma_start3A_206 = arith.constant 0 : i32
      %dma_start3A_207 = arith.constant 0 : i32
      %dma_start3A_208 = tpu.memref_slice %arg6[%rem3A_173, %dma_start3A_206, %dma_start3A_207] : memref<7x16x1024xf32, #tpu.memory_space<vmem>> -> memref<1x16x1024xf32, #tpu.memory_space<vmem>>
      %dma_start3A_209 = tpu.memref_squeeze %dma_start3A_208 : memref<1x16x1024xf32, #tpu.memory_space<vmem>> -> memref<16x1024xf32, #tpu.memory_space<vmem>>
      %dma_start3A_210 = arith.constant 0 : i32
      %dma_start3A_211 = tpu.memref_slice %arg4[%add3A_205, %dma_start3A_210] : memref<16384x1024xf32, #tpu.memory_space<hbm>> -> memref<16x1024xf32, #tpu.memory_space<hbm>>
      %dma_start3A_212 = tpu.memref_slice %arg8[%rem3A_173] : memref<7x!tpu.dma_semaphore, #tpu.memory_space<semaphore_mem>> -> memref<1x!tpu.dma_semaphore, #tpu.memory_space<semaphore_mem>>
      %dma_start3A_213 = tpu.memref_squeeze %dma_start3A_212 : memref<1x!tpu.dma_semaphore, #tpu.memory_space<semaphore_mem>> -> memref<!tpu.dma_semaphore, #tpu.memory_space<semaphore_mem>>
      %dma_start3A_214 = arith.constant 0 : i32
      %dma_start3A_215 = tpu.memref_slice %arg4[%add3A_205, %dma_start3A_214] : memref<16384x1024xf32, #tpu.memory_space<hbm>> -> memref<16x1024xf32, #tpu.memory_space<hbm>>
      %dma_start3A_216 = arith.constant 0 : i32
      %dma_start3A_217 = arith.constant 0 : i32
      %dma_start3A_218 = tpu.memref_slice %arg6[%rem3A_173, %dma_start3A_216, %dma_start3A_217] : memref<7x16x1024xf32, #tpu.memory_space<vmem>> -> memref<1x16x1024xf32, #tpu.memory_space<vmem>>
      %dma_start3A_219 = tpu.memref_squeeze %dma_start3A_218 : memref<1x16x1024xf32, #tpu.memory_space<vmem>> -> memref<16x1024xf32, #tpu.memory_space<vmem>>
      tpu.enqueue_dma source(%dma_start3A_219 : memref<16x1024xf32, #tpu.memory_space<vmem>>) target(%dma_start3A_215 : memref<16x1024xf32, #tpu.memory_space<hbm>>) target_semaphore(%dma_start3A_213 : memref<!tpu.dma_semaphore, #tpu.memory_space<semaphore_mem>>)
      %scan3A_220 = arith.constant 0 : i32
      scf.yield %scan3A_220 : i32
    }
    %scan3A_59 = arith.constant 32 : i32
    %dma_wait3A = arith.constant 4 : i32
    %dma_wait3A_60 = arith.constant 4 : i32
    %dma_wait3A_61 = arith.constant 0 : i32
    %dma_wait3A_62 = arith.constant 0 : i32
    %dma_wait3A_63 = tpu.memref_slice %arg6[%dma_wait3A, %dma_wait3A_61, %dma_wait3A_62] : memref<7x16x1024xf32, #tpu.memory_space<vmem>> -> memref<1x16x1024xf32, #tpu.memory_space<vmem>>
    %dma_wait3A_64 = tpu.memref_squeeze %dma_wait3A_63 : memref<1x16x1024xf32, #tpu.memory_space<vmem>> -> memref<16x1024xf32, #tpu.memory_space<vmem>>
    %dma_wait3A_65 = arith.constant 0 : i32
    %dma_wait3A_66 = tpu.memref_slice %arg4[%mul3A_2, %dma_wait3A_65] : memref<16384x1024xf32, #tpu.memory_space<hbm>> -> memref<16x1024xf32, #tpu.memory_space<hbm>>
    %dma_wait3A_67 = tpu.memref_slice %arg8[%dma_wait3A_60] : memref<7x!tpu.dma_semaphore, #tpu.memory_space<semaphore_mem>> -> memref<1x!tpu.dma_semaphore, #tpu.memory_space<semaphore_mem>>
    %dma_wait3A_68 = tpu.memref_squeeze %dma_wait3A_67 : memref<1x!tpu.dma_semaphore, #tpu.memory_space<semaphore_mem>> -> memref<!tpu.dma_semaphore, #tpu.memory_space<semaphore_mem>>
    %dma_wait3A_69 = arith.constant 0 : i32
    %dma_wait3A_70 = tpu.memref_slice %arg4[%mul3A_2, %dma_wait3A_69] : memref<16384x1024xf32, #tpu.memory_space<hbm>> -> memref<16x1024xf32, #tpu.memory_space<hbm>>
    %dma_wait3A_71 = arith.constant 0 : i32
    %dma_wait3A_72 = arith.constant 0 : i32
    %dma_wait3A_73 = tpu.memref_slice %arg6[%dma_wait3A, %dma_wait3A_71, %dma_wait3A_72] : memref<7x16x1024xf32, #tpu.memory_space<vmem>> -> memref<1x16x1024xf32, #tpu.memory_space<vmem>>
    %dma_wait3A_74 = tpu.memref_squeeze %dma_wait3A_73 : memref<1x16x1024xf32, #tpu.memory_space<vmem>> -> memref<16x1024xf32, #tpu.memory_space<vmem>>
    tpu.wait_dma2 semaphore(%dma_wait3A_68 : memref<!tpu.dma_semaphore, #tpu.memory_space<semaphore_mem>>) src(%dma_wait3A_74 : memref<16x1024xf32, #tpu.memory_space<vmem>>) dst(%dma_wait3A_70 : memref<16x1024xf32, #tpu.memory_space<hbm>>)
    %dma_wait3A_75 = arith.constant 5 : i32
    %dma_wait3A_76 = arith.constant 5 : i32
    %dma_wait3A_77 = arith.constant 0 : i32
    %dma_wait3A_78 = arith.constant 0 : i32
    %dma_wait3A_79 = tpu.memref_slice %arg6[%dma_wait3A_75, %dma_wait3A_77, %dma_wait3A_78] : memref<7x16x1024xf32, #tpu.memory_space<vmem>> -> memref<1x16x1024xf32, #tpu.memory_space<vmem>>
    %dma_wait3A_80 = tpu.memref_squeeze %dma_wait3A_79 : memref<1x16x1024xf32, #tpu.memory_space<vmem>> -> memref<16x1024xf32, #tpu.memory_space<vmem>>
    %dma_wait3A_81 = arith.constant 0 : i32
    %dma_wait3A_82 = tpu.memref_slice %arg4[%mul3A_2, %dma_wait3A_81] : memref<16384x1024xf32, #tpu.memory_space<hbm>> -> memref<16x1024xf32, #tpu.memory_space<hbm>>
    %dma_wait3A_83 = tpu.memref_slice %arg8[%dma_wait3A_76] : memref<7x!tpu.dma_semaphore, #tpu.memory_space<semaphore_mem>> -> memref<1x!tpu.dma_semaphore, #tpu.memory_space<semaphore_mem>>
    %dma_wait3A_84 = tpu.memref_squeeze %dma_wait3A_83 : memref<1x!tpu.dma_semaphore, #tpu.memory_space<semaphore_mem>> -> memref<!tpu.dma_semaphore, #tpu.memory_space<semaphore_mem>>
    %dma_wait3A_85 = arith.constant 0 : i32
    %dma_wait3A_86 = tpu.memref_slice %arg4[%mul3A_2, %dma_wait3A_85] : memref<16384x1024xf32, #tpu.memory_space<hbm>> -> memref<16x1024xf32, #tpu.memory_space<hbm>>
    %dma_wait3A_87 = arith.constant 0 : i32
    %dma_wait3A_88 = arith.constant 0 : i32
    %dma_wait3A_89 = tpu.memref_slice %arg6[%dma_wait3A_75, %dma_wait3A_87, %dma_wait3A_88] : memref<7x16x1024xf32, #tpu.memory_space<vmem>> -> memref<1x16x1024xf32, #tpu.memory_space<vmem>>
    %dma_wait3A_90 = tpu.memref_squeeze %dma_wait3A_89 : memref<1x16x1024xf32, #tpu.memory_space<vmem>> -> memref<16x1024xf32, #tpu.memory_space<vmem>>
    tpu.wait_dma2 semaphore(%dma_wait3A_84 : memref<!tpu.dma_semaphore, #tpu.memory_space<semaphore_mem>>) src(%dma_wait3A_90 : memref<16x1024xf32, #tpu.memory_space<vmem>>) dst(%dma_wait3A_86 : memref<16x1024xf32, #tpu.memory_space<hbm>>)
    %dma_wait3A_91 = arith.constant 6 : i32
    %dma_wait3A_92 = arith.constant 6 : i32
    %dma_wait3A_93 = arith.constant 0 : i32
    %dma_wait3A_94 = arith.constant 0 : i32
    %dma_wait3A_95 = tpu.memref_slice %arg6[%dma_wait3A_91, %dma_wait3A_93, %dma_wait3A_94] : memref<7x16x1024xf32, #tpu.memory_space<vmem>> -> memref<1x16x1024xf32, #tpu.memory_space<vmem>>
    %dma_wait3A_96 = tpu.memref_squeeze %dma_wait3A_95 : memref<1x16x1024xf32, #tpu.memory_space<vmem>> -> memref<16x1024xf32, #tpu.memory_space<vmem>>
    %dma_wait3A_97 = arith.constant 0 : i32
    %dma_wait3A_98 = tpu.memref_slice %arg4[%mul3A_2, %dma_wait3A_97] : memref<16384x1024xf32, #tpu.memory_space<hbm>> -> memref<16x1024xf32, #tpu.memory_space<hbm>>
    %dma_wait3A_99 = tpu.memref_slice %arg8[%dma_wait3A_92] : memref<7x!tpu.dma_semaphore, #tpu.memory_space<semaphore_mem>> -> memref<1x!tpu.dma_semaphore, #tpu.memory_space<semaphore_mem>>
    %dma_wait3A_100 = tpu.memref_squeeze %dma_wait3A_99 : memref<1x!tpu.dma_semaphore, #tpu.memory_space<semaphore_mem>> -> memref<!tpu.dma_semaphore, #tpu.memory_space<semaphore_mem>>
    %dma_wait3A_101 = arith.constant 0 : i32
    %dma_wait3A_102 = tpu.memref_slice %arg4[%mul3A_2, %dma_wait3A_101] : memref<16384x1024xf32, #tpu.memory_space<hbm>> -> memref<16x1024xf32, #tpu.memory_space<hbm>>
    %dma_wait3A_103 = arith.constant 0 : i32
    %dma_wait3A_104 = arith.constant 0 : i32
    %dma_wait3A_105 = tpu.memref_slice %arg6[%dma_wait3A_91, %dma_wait3A_103, %dma_wait3A_104] : memref<7x16x1024xf32, #tpu.memory_space<vmem>> -> memref<1x16x1024xf32, #tpu.memory_space<vmem>>
    %dma_wait3A_106 = tpu.memref_squeeze %dma_wait3A_105 : memref<1x16x1024xf32, #tpu.memory_space<vmem>> -> memref<16x1024xf32, #tpu.memory_space<vmem>>
    tpu.wait_dma2 semaphore(%dma_wait3A_100 : memref<!tpu.dma_semaphore, #tpu.memory_space<semaphore_mem>>) src(%dma_wait3A_106 : memref<16x1024xf32, #tpu.memory_space<vmem>>) dst(%dma_wait3A_102 : memref<16x1024xf32, #tpu.memory_space<hbm>>)
    %dma_wait3A_107 = arith.constant 0 : i32
    %dma_wait3A_108 = arith.constant 0 : i32
    %dma_wait3A_109 = arith.constant 0 : i32
    %dma_wait3A_110 = arith.constant 0 : i32
    %dma_wait3A_111 = tpu.memref_slice %arg6[%dma_wait3A_107, %dma_wait3A_109, %dma_wait3A_110] : memref<7x16x1024xf32, #tpu.memory_space<vmem>> -> memref<1x16x1024xf32, #tpu.memory_space<vmem>>
    %dma_wait3A_112 = tpu.memref_squeeze %dma_wait3A_111 : memref<1x16x1024xf32, #tpu.memory_space<vmem>> -> memref<16x1024xf32, #tpu.memory_space<vmem>>
    %dma_wait3A_113 = arith.constant 0 : i32
    %dma_wait3A_114 = tpu.memref_slice %arg4[%mul3A_2, %dma_wait3A_113] : memref<16384x1024xf32, #tpu.memory_space<hbm>> -> memref<16x1024xf32, #tpu.memory_space<hbm>>
    %dma_wait3A_115 = tpu.memref_slice %arg8[%dma_wait3A_108] : memref<7x!tpu.dma_semaphore, #tpu.memory_space<semaphore_mem>> -> memref<1x!tpu.dma_semaphore, #tpu.memory_space<semaphore_mem>>
    %dma_wait3A_116 = tpu.memref_squeeze %dma_wait3A_115 : memref<1x!tpu.dma_semaphore, #tpu.memory_space<semaphore_mem>> -> memref<!tpu.dma_semaphore, #tpu.memory_space<semaphore_mem>>
    %dma_wait3A_117 = arith.constant 0 : i32
    %dma_wait3A_118 = tpu.memref_slice %arg4[%mul3A_2, %dma_wait3A_117] : memref<16384x1024xf32, #tpu.memory_space<hbm>> -> memref<16x1024xf32, #tpu.memory_space<hbm>>
    %dma_wait3A_119 = arith.constant 0 : i32
    %dma_wait3A_120 = arith.constant 0 : i32
    %dma_wait3A_121 = tpu.memref_slice %arg6[%dma_wait3A_107, %dma_wait3A_119, %dma_wait3A_120] : memref<7x16x1024xf32, #tpu.memory_space<vmem>> -> memref<1x16x1024xf32, #tpu.memory_space<vmem>>
    %dma_wait3A_122 = tpu.memref_squeeze %dma_wait3A_121 : memref<1x16x1024xf32, #tpu.memory_space<vmem>> -> memref<16x1024xf32, #tpu.memory_space<vmem>>
    tpu.wait_dma2 semaphore(%dma_wait3A_116 : memref<!tpu.dma_semaphore, #tpu.memory_space<semaphore_mem>>) src(%dma_wait3A_122 : memref<16x1024xf32, #tpu.memory_space<vmem>>) dst(%dma_wait3A_118 : memref<16x1024xf32, #tpu.memory_space<hbm>>)
    %dma_wait3A_123 = arith.constant 1 : i32
    %dma_wait3A_124 = arith.constant 1 : i32
    %dma_wait3A_125 = arith.constant 0 : i32
    %dma_wait3A_126 = arith.constant 0 : i32
    %dma_wait3A_127 = tpu.memref_slice %arg6[%dma_wait3A_123, %dma_wait3A_125, %dma_wait3A_126] : memref<7x16x1024xf32, #tpu.memory_space<vmem>> -> memref<1x16x1024xf32, #tpu.memory_space<vmem>>
    %dma_wait3A_128 = tpu.memref_squeeze %dma_wait3A_127 : memref<1x16x1024xf32, #tpu.memory_space<vmem>> -> memref<16x1024xf32, #tpu.memory_space<vmem>>
    %dma_wait3A_129 = arith.constant 0 : i32
    %dma_wait3A_130 = tpu.memref_slice %arg4[%mul3A_2, %dma_wait3A_129] : memref<16384x1024xf32, #tpu.memory_space<hbm>> -> memref<16x1024xf32, #tpu.memory_space<hbm>>
    %dma_wait3A_131 = tpu.memref_slice %arg8[%dma_wait3A_124] : memref<7x!tpu.dma_semaphore, #tpu.memory_space<semaphore_mem>> -> memref<1x!tpu.dma_semaphore, #tpu.memory_space<semaphore_mem>>
    %dma_wait3A_132 = tpu.memref_squeeze %dma_wait3A_131 : memref<1x!tpu.dma_semaphore, #tpu.memory_space<semaphore_mem>> -> memref<!tpu.dma_semaphore, #tpu.memory_space<semaphore_mem>>
    %dma_wait3A_133 = arith.constant 0 : i32
    %dma_wait3A_134 = tpu.memref_slice %arg4[%mul3A_2, %dma_wait3A_133] : memref<16384x1024xf32, #tpu.memory_space<hbm>> -> memref<16x1024xf32, #tpu.memory_space<hbm>>
    %dma_wait3A_135 = arith.constant 0 : i32
    %dma_wait3A_136 = arith.constant 0 : i32
    %dma_wait3A_137 = tpu.memref_slice %arg6[%dma_wait3A_123, %dma_wait3A_135, %dma_wait3A_136] : memref<7x16x1024xf32, #tpu.memory_space<vmem>> -> memref<1x16x1024xf32, #tpu.memory_space<vmem>>
    %dma_wait3A_138 = tpu.memref_squeeze %dma_wait3A_137 : memref<1x16x1024xf32, #tpu.memory_space<vmem>> -> memref<16x1024xf32, #tpu.memory_space<vmem>>
    tpu.wait_dma2 semaphore(%dma_wait3A_132 : memref<!tpu.dma_semaphore, #tpu.memory_space<semaphore_mem>>) src(%dma_wait3A_138 : memref<16x1024xf32, #tpu.memory_space<vmem>>) dst(%dma_wait3A_134 : memref<16x1024xf32, #tpu.memory_space<hbm>>)
    %dma_wait3A_139 = arith.constant 2 : i32
    %dma_wait3A_140 = arith.constant 2 : i32
    %dma_wait3A_141 = arith.constant 0 : i32
    %dma_wait3A_142 = arith.constant 0 : i32
    %dma_wait3A_143 = tpu.memref_slice %arg6[%dma_wait3A_139, %dma_wait3A_141, %dma_wait3A_142] : memref<7x16x1024xf32, #tpu.memory_space<vmem>> -> memref<1x16x1024xf32, #tpu.memory_space<vmem>>
    %dma_wait3A_144 = tpu.memref_squeeze %dma_wait3A_143 : memref<1x16x1024xf32, #tpu.memory_space<vmem>> -> memref<16x1024xf32, #tpu.memory_space<vmem>>
    %dma_wait3A_145 = arith.constant 0 : i32
    %dma_wait3A_146 = tpu.memref_slice %arg4[%mul3A_2, %dma_wait3A_145] : memref<16384x1024xf32, #tpu.memory_space<hbm>> -> memref<16x1024xf32, #tpu.memory_space<hbm>>
    %dma_wait3A_147 = tpu.memref_slice %arg8[%dma_wait3A_140] : memref<7x!tpu.dma_semaphore, #tpu.memory_space<semaphore_mem>> -> memref<1x!tpu.dma_semaphore, #tpu.memory_space<semaphore_mem>>
    %dma_wait3A_148 = tpu.memref_squeeze %dma_wait3A_147 : memref<1x!tpu.dma_semaphore, #tpu.memory_space<semaphore_mem>> -> memref<!tpu.dma_semaphore, #tpu.memory_space<semaphore_mem>>
    %dma_wait3A_149 = arith.constant 0 : i32
    %dma_wait3A_150 = tpu.memref_slice %arg4[%mul3A_2, %dma_wait3A_149] : memref<16384x1024xf32, #tpu.memory_space<hbm>> -> memref<16x1024xf32, #tpu.memory_space<hbm>>
    %dma_wait3A_151 = arith.constant 0 : i32
    %dma_wait3A_152 = arith.constant 0 : i32
    %dma_wait3A_153 = tpu.memref_slice %arg6[%dma_wait3A_139, %dma_wait3A_151, %dma_wait3A_152] : memref<7x16x1024xf32, #tpu.memory_space<vmem>> -> memref<1x16x1024xf32, #tpu.memory_space<vmem>>
    %dma_wait3A_154 = tpu.memref_squeeze %dma_wait3A_153 : memref<1x16x1024xf32, #tpu.memory_space<vmem>> -> memref<16x1024xf32, #tpu.memory_space<vmem>>
    tpu.wait_dma2 semaphore(%dma_wait3A_148 : memref<!tpu.dma_semaphore, #tpu.memory_space<semaphore_mem>>) src(%dma_wait3A_154 : memref<16x1024xf32, #tpu.memory_space<vmem>>) dst(%dma_wait3A_150 : memref<16x1024xf32, #tpu.memory_space<hbm>>)
    %dma_wait3A_155 = arith.constant 3 : i32
    %dma_wait3A_156 = arith.constant 3 : i32
    %dma_wait3A_157 = arith.constant 0 : i32
    %dma_wait3A_158 = arith.constant 0 : i32
    %dma_wait3A_159 = tpu.memref_slice %arg6[%dma_wait3A_155, %dma_wait3A_157, %dma_wait3A_158] : memref<7x16x1024xf32, #tpu.memory_space<vmem>> -> memref<1x16x1024xf32, #tpu.memory_space<vmem>>
    %dma_wait3A_160 = tpu.memref_squeeze %dma_wait3A_159 : memref<1x16x1024xf32, #tpu.memory_space<vmem>> -> memref<16x1024xf32, #tpu.memory_space<vmem>>
    %dma_wait3A_161 = arith.constant 0 : i32
    %dma_wait3A_162 = tpu.memref_slice %arg4[%mul3A_2, %dma_wait3A_161] : memref<16384x1024xf32, #tpu.memory_space<hbm>> -> memref<16x1024xf32, #tpu.memory_space<hbm>>
    %dma_wait3A_163 = tpu.memref_slice %arg8[%dma_wait3A_156] : memref<7x!tpu.dma_semaphore, #tpu.memory_space<semaphore_mem>> -> memref<1x!tpu.dma_semaphore, #tpu.memory_space<semaphore_mem>>
    %dma_wait3A_164 = tpu.memref_squeeze %dma_wait3A_163 : memref<1x!tpu.dma_semaphore, #tpu.memory_space<semaphore_mem>> -> memref<!tpu.dma_semaphore, #tpu.memory_space<semaphore_mem>>
    %dma_wait3A_165 = arith.constant 0 : i32
    %dma_wait3A_166 = tpu.memref_slice %arg4[%mul3A_2, %dma_wait3A_165] : memref<16384x1024xf32, #tpu.memory_space<hbm>> -> memref<16x1024xf32, #tpu.memory_space<hbm>>
    %dma_wait3A_167 = arith.constant 0 : i32
    %dma_wait3A_168 = arith.constant 0 : i32
    %dma_wait3A_169 = tpu.memref_slice %arg6[%dma_wait3A_155, %dma_wait3A_167, %dma_wait3A_168] : memref<7x16x1024xf32, #tpu.memory_space<vmem>> -> memref<1x16x1024xf32, #tpu.memory_space<vmem>>
    %dma_wait3A_170 = tpu.memref_squeeze %dma_wait3A_169 : memref<1x16x1024xf32, #tpu.memory_space<vmem>> -> memref<16x1024xf32, #tpu.memory_space<vmem>>
    tpu.wait_dma2 semaphore(%dma_wait3A_164 : memref<!tpu.dma_semaphore, #tpu.memory_space<semaphore_mem>>) src(%dma_wait3A_170 : memref<16x1024xf32, #tpu.memory_space<vmem>>) dst(%dma_wait3A_166 : memref<16x1024xf32, #tpu.memory_space<hbm>>)
    return
  }
}

</mosaic_0001>

<sc_bundles>
// kernel: kernel.3.cloned.1.call-start
scs
__scs_entry_jumppad:
0x0: {  	(pc) =	sbr.rel $0x88, $3  }
0x1: {  	(tag) =	ssettag $0x0;
	lr =	simm.s32 $0x1  }
0x2: {  	[smem:$0x3F9F] =	sst lr;
	_ =	strace $0xD0000000  }
0x3: {  	_ = 	snop  }
0x4: {  	_ = 	snop  }
0x5: {  	_ = 	snop  }
0x6: {  	_ = 	snop  }
0x7: {  	_ = 	snop  }
__scs_overlays_trampoline_lowered:
0x8: {  	[smem:$0x3FAE] =	sst s0  }
0x9: {  	[smem:$0x3FAF] =	sst s1  }
0xa: {  	[smem:$0x3FB0] =	sst s2  }
0xb: {  	[smem:$0x3FB1] =	sst s3  }
0xc: {  	[smem:$0x3FB2] =	sst s4  }
0xd: {  	[smem:$0x3FB3] =	sst s5  }
0xe: {  	[smem:$0x3FB4] =	sst s6  }
0xf: {  	[smem:$0x3FB5] =	sst s7  }
0x10: {  	[smem:$0x3FB6] =	sst s8  }
0x11: {  	[smem:$0x3FB7] =	sst s9;
	s0 =	simm.s32 @!p0 $0x0  }
0x12: {  	s1 =	sld [smem:$0x3F9D];
	s0 =	simm.s32 @p0 $0x1  }
0x13: {  	[smem:$0x3FB8] =	sst s0;
	s0 =	simm.s32 @!p1 $0x0  }
0x14: {  	s2 =	sld [smem:$0x3F9C];
	s0 =	simm.s32 @p1 $0x1  }
0x15: {  	[smem:$0x3FB9] =	sst s0;
	s0 =	simm.s32 @!p2 $0x0  }
0x16: {  	s3 =	sld [smem:$0x3FDB];
	s0 =	simm.s32 @p2 $0x1  }
0x17: {  	s4 =	simm.s32 $0x1BF5;
	[smem:$0x3FBB] =	sst s0  }
0x18: {  	s0 =	sld [smem:$0x3F9E];
	_ =	swait.ge [sflag:s4], $0x0  }
0x19: {  	s7 =	sld [smem:$0x3F9F]  }
0x1a: {  	s8 =	sadd.s32 $0xFFFFE003, lr  }
0x1b: {  	s9 =	sadd.s32 $0xFFFFFEF7, lr;
	s5 =	simm.s32 $0xFFFFFFFF;
	p2 =	slt.u32 s8, $0xFFFFF086  }
0x1c: {  	p1 =	slt.u32 s9, $0xF7A;
	s5 =	simm.s32 @!p2 $0x0  }
0x1d: {  	s5 =	simm.s32 @p1 $0x1;
	p0 =	seq.s32 s7, s2  }
0x1e: {  	s7 =	smul.u32 @!p0 $0xF7A, s2;
	p2 =	seq.s32 @!p0 s5, $0x0  }
0x1f: {  	s9 =	smul.u32 $0xF7A, s1;
	s8 =	simm.s32 @!p0 $0x1BF5;
	p2 =	por !p2, p0  }
0x20: {  	[sflag:s8] =	ssyncset.s32 @!p0 $0xFFFFF086;
	s6 =	sadd.s32 @!p0 s3, s7;
	s7 =	simm.s32 @!p0 $0x108  }
0x21: {  	s3 =	sadd.s32 s3, s9;
	s6 =	sadd.s32 @!p0 $0x88, s6;
	s7 =	simm.s32 @p2 $0x1082  }
0x22: {  	[simem:s7], [sflag:s8] =	dma.local @!p0 [hbm:s6], $0xF7A  }
0x23: {  	s9 =	sor.u32 $0xD0000000, s2;
	s6 =	simm.s32 $0x108;
	_ =	swait.ge @!p0 [sflag:s8], $0x0  }
0x24: {  	s3 =	sadd.s32 $0x88, s3;
	s6 =	simm.s32 @!p1 $0x1082;
	[sflag:s4] =	ssyncset.s32 $0xFFFFF086  }
0x25: {  	[simem:s6], [sflag:s4] =	dma.local [hbm:s3], $0xF7A  }
0x26: {  	[smem:$0x3F9F] =	sst s1;
	(tag) =	ssettag s2;
	_ =	strace s9  }
0x27: {  	s1 =	sld [smem:$0x3FAF]  }
0x28: {  	s2 =	sld [smem:$0x3FB0]  }
0x29: {  	s4 =	sld [smem:$0x3FB2]  }
0x2a: {  	p0 =	seq.s32 s5, $0x0;
	s5 =	sld [smem:$0x3FB3]  }
0x2b: {  	s6 =	sld [smem:$0x3FB4]  }
0x2c: {  	s7 =	sld [smem:$0x3FB5]  }
0x2d: {  	s3 =	simm.s32 $0x108;
	s8 =	sld [smem:$0x3FB6]  }
0x2e: {  	s3 =	simm.s32 @!p0 $0x1082;
	s9 =	sld [smem:$0x3FB7]  }
0x2f: {  	lr =	sadd.s32 s0, s3;
	s0 =	sld [smem:$0x3FAE]  }
0x30: {  	s3 =	sld [smem:$0x3FB1]  }
0x31: {  	[smem:$0x3FBA] =	sst s10  }
0x32: {  	s10 =	sld [smem:$0x3FB8];
	_ =	sdelay $0x3  }
0x33: {  	p0 =	seq.s32 s10, $0x1;
	s10 =	sld [smem:$0x3FBA];
	_ =	sdelay $0x3  }
0x34: {  	[smem:$0x3FBA] =	sst s10  }
0x35: {  	s10 =	sld [smem:$0x3FB9];
	_ =	sdelay $0x3  }
0x36: {  	p1 =	seq.s32 s10, $0x1;
	s10 =	sld [smem:$0x3FBA];
	_ =	sdelay $0x3  }
0x37: {  	[smem:$0x3FBA] =	sst s10  }
0x38: {  	s10 =	sld [smem:$0x3FBB]  }
0x39: {  	_ = 	snop;
	(pc) =	sbr.ind lr, $3  }
0x3a: {  	_ = 	snop  }
0x3b: {  	_ = 	snop  }
0x3c: {  	p2 =	seq.s32 s10, $0x1;
	s10 =	sld [smem:$0x3FBA]  }
0x3d: {  	_ =	shalt  }
0x3e: {  	_ =	shalt  }
0x3f: {  	_ =	shalt  }
0x40: {  	_ =	shalt  }
0x41: {  	_ =	shalt  }
0x42: {  	_ =	shalt  }
0x43: {  	_ =	shalt  }
0x44: {  	_ =	shalt  }
0x45: {  	_ =	shalt  }
0x46: {  	_ =	shalt  }
0x47: {  	_ =	shalt  }
0x48: {  	_ =	shalt  }
0x49: {  	_ =	shalt  }
0x4a: {  	_ =	shalt  }
0x4b: {  	_ =	shalt  }
0x4c: {  	_ =	shalt  }
0x4d: {  	_ =	shalt  }
0x4e: {  	_ =	shalt  }
0x4f: {  	_ =	shalt  }
0x50: {  	_ =	shalt  }
0x51: {  	_ =	shalt  }
0x52: {  	_ =	shalt  }
0x53: {  	_ =	shalt  }
0x54: {  	_ =	shalt  }
0x55: {  	_ =	shalt  }
0x56: {  	_ =	shalt  }
0x57: {  	_ =	shalt  }
0x58: {  	_ =	shalt  }
0x59: {  	_ =	shalt  }
0x5a: {  	_ =	shalt  }
0x5b: {  	_ =	shalt  }
0x5c: {  	_ =	shalt  }
0x5d: {  	_ =	shalt  }
0x5e: {  	_ =	shalt  }
0x5f: {  	_ =	shalt  }
0x60: {  	_ =	shalt  }
0x61: {  	_ =	shalt  }
0x62: {  	_ =	shalt  }
0x63: {  	_ =	shalt  }
0x64: {  	_ =	shalt  }
0x65: {  	_ =	shalt  }
0x66: {  	_ =	shalt  }
0x67: {  	_ =	shalt  }
0x68: {  	_ =	shalt  }
0x69: {  	_ =	shalt  }
0x6a: {  	_ =	shalt  }
0x6b: {  	_ =	shalt  }
0x6c: {  	_ =	shalt  }
0x6d: {  	_ =	shalt  }
0x6e: {  	_ =	shalt  }
0x6f: {  	_ =	shalt  }
0x70: {  	_ =	shalt  }
0x71: {  	_ =	shalt  }
0x72: {  	_ =	shalt  }
0x73: {  	_ =	shalt  }
0x74: {  	_ =	shalt  }
0x75: {  	_ =	shalt  }
0x76: {  	_ =	shalt  }
0x77: {  	_ =	shalt  }
0x78: {  	_ =	shalt  }
0x79: {  	_ =	shalt  }
0x7a: {  	_ =	shalt  }
0x7b: {  	_ =	shalt  }
0x7c: {  	_ =	shalt  }
0x7d: {  	_ =	shalt  }
0x7e: {  	_ =	shalt  }
0x7f: {  	_ =	shalt  }
0x80: {  	_ =	shalt  }
0x81: {  	_ =	shalt  }
0x82: {  	_ =	shalt  }
0x83: {  	_ =	shalt  }
0x84: {  	_ =	shalt  }
0x85: {  	_ =	shalt  }
0x86: {  	_ =	shalt  }
0x87: {  	_ =	shalt  }
.Lfunc_end0:
.L_simem_size_0:
called_computation_lowered:
.L_overlay_start_0:
0x88: {  	s2 =	sld [smem:$0x3FD9]  }
0x89: {  	s3 =	sld [smem:$0x3FFE];
	_ =	sdelay $0x1  }
0x8a: {  	s1 =	srdreg.scid  }
0x8b: {  	s0 =	sand.u32 $0x1, s1  }
0x8c: {  	s17 =	sshll.u32 s0, $0xA;
	s2 =	sadd.s32 s3, s2  }
0x8d: {  	s2 =	sadd.s32 s2, s17  }
0x8e: {  	[smem:$0x3FC6] =	sst s2  }
0x8f: {  	_ = 	snop  }
0x90: {  	s2 =	sld [smem:$0x3FC8]  }
0x91: {  	s18 =	sld [smem:$0x3FD0];
	(tm) =	ssettm $0x1  }
0x92: {  	s4 =	sld [smem:$0x3FFB];
	_ =	sdelay $0x3  }
0x93: {  	_ =	strace s4  }
0x94: {  	s4 =	sld [smem:$0x3FFC];
	_ =	sdelay $0x3  }
0x95: {  	_ =	strace s4  }
0x96: {  	s4 =	sld [smem:$0x3FFD];
	_ =	sdelay $0x3  }
0x97: {  	_ =	strace s4  }
0x98: {  	_ =	strace $0x8FFFFFFF  }
0x99: {  	s19 =	sld [smem:$0x3FDB];
	_ =	sdelay $0x1  }
0x9a: {  	s5 =	simm.s32 $_scs_section_size  }
0x9b: {  	s6 =	simm.s32 $_size__tile_overlayer_lowered;
	s7 =	simm.s32 $_tile_overlayer_lowered  }
0x9c: {  	s22 =	simm.s32 $0x1BFF;
	s21 =	sshll.u32 s7, $0x1;
	s4 =	sadd.s32 s5, s19  }
0x9d: {  	s8 =	simm.s32 $0x0;
	s20 =	sshll.u32 s6, $0x1;
	s6 =	sadd.s32 s21, s4  }
0x9e: {  	[timem:s8], [sflag:s22] =	dma.local [hbm:s6], s20  }
0x9f: {  	_ =	swait.ge [sflag:s22], s20  }
0xa0: {  	s5 =	ssub.s32 $0x0, s20;
	[sflag:s22] =	ssyncset.done $0x0  }
0xa1: {  	[sflag:s22] =	ssyncadd.s32 s5;
	_ =	sdelay $0x1  }
0xa2: {  	s23 =	simm.s32 $0x1B8B  }
0xa3: {  	_ =	swait.ge [sflag:s23], $0x1  }
0xa4: {  	[sflag:s23] =	ssyncset.done $0x0  }
0xa5: {  	s25 =	simm.s32 $0x1B8E;
	s24 =	sld [smem:$0x3FFE];
	[sflag:s23] =	ssyncadd.s32 $0xFFFFFFFF  }
0xa6: {  	s26 =	simm.s32 $execute0_lowered;
	[smem:$0x3FD2] =	sst s25  }
0xa7: {  	s6 =	sshll.u32 s26, $0x1;
	_ =	strace $0x80000046;
	[dreg:$0x1] =	wrdreg $0xFFFFFFFF  }
0xa8: {  	s28 =	simm.s32 $_size_execute0_lowered;
	s4 =	sadd.s32 s4, s6;
	[dreg:$0x0] =	wrdreg $0x0  }
0xa9: {  	s6 =	sshll.u32 s28, $0x1;
	[dreg:$0x2] =	wrdreg s4  }
0xaa: {  	[dreg:$0x3] =	wrdreg s6  }
0xab: {  	[dreg:$0x4] =	wrdreg $0xC0  }
0xac: {  	_ =	task [dreg:s8], $0x5FFFF  }
0xad: {  	[dreg:$0x1] =	wrdreg $0xFFFFFFFF  }
0xae: {  	[dreg:$0x0] =	wrdreg $0x60  }
0xaf: {  	[dreg:$0x2] =	wrdreg s2  }
0xb0: {  	[dreg:$0x3] =	wrdreg s24  }
0xb1: {  	[dreg:$0x4] =	wrdreg s18  }
0xb2: {  	[dreg:$0x5] =	wrdreg $0x9  }
0xb3: {  	_ =	task.clear_ibuf [dreg:s8], $0x6FFFF;
	_ =	strace $0x90000046  }
0xb4: {  	s29 =	simm.s32 $0x9;
	_ =	strace $0x80000048  }
0xb5: {  	_ =	swait.ge [sflag:s29], $0x1  }
0xb6: {  	[sflag:s29] =	ssyncadd.s32 $0xFFFFFFFF  }
0xb7: {  	_ =	strace $0x90000048  }
0xb8: {  	_ =	sfence  }
0xb9: {  	s30 =	sld [smem:$0x0];
	_ =	sdelay $0x2  }
0xba: {  	s31 =	sshll.u32 s1, $0xD;
	s1 =	sshrl.u32 s1, $0x2  }
0xbb: {  	s3 =	sand.u32 $0x4000, s31;
	s1 =	sadd.s32 s1, s30  }
0xbc: {  	s0 =	sor.u32 s3, s0;
	s1 =	sshll.u32 s1, $0x11  }
0xbd: {  	s0 =	sor.u32 s1, s0  }
0xbe: {  	s0 =	sadd.s32 $0x8F2B, s0  }
0xbf: {  	[sflag:s0] =	ssyncadd.remote.s32 $0x1  }
0xc0: {  	_ =	sfence.sel $0xFFFF  }
0xc1: {  	[dreg:$0x0] =	wrdreg $0xFFFFFFFF;
	(pc) =	sbr.abs _section_cstart, $3  }
0xc2: {  	[dreg:$0x1] =	wrdreg $0xFFFFFFFF  }
0xc3: {  	_ =	task.clear_ibuf [dreg:s8], $0x2FFFF;
	_ =	strace $0x9FFFFFFF  }
0xc4: {  	(tm) =	ssettm $0x7FFFFFFF  }
0xc5: {  	_ =	shalt  }
tec
execute0_lowered:
.L_overlay_start_1:
0x0: {  	(tag) =	ssettag $0x1  }
0x1: {  	s2 =	rddreg [dreg:$0x0]  }
0x2: {  	s0 =	rddreg [dreg:$0x1]  }
0x3: {  	s1 =	srdreg.scid;
	s8 =	rddreg [dreg:$0x2]  }
0x4: {  	s3 =	stileid.u32;
	s10 =	simm.s32 $0xF;
	s17 =	simm.s32 $0xE200  }
0x5: {  	s18 =	simm.s32 $0xEA00;
	s19 =	simm.s32 $0xF200;
	s20 =	simm.s32 $0xFA00  }
0x6: {  	s21 =	simm.s32 $0xC;
	s22 =	simm.s32 $0xD;
	s23 =	simm.s32 $0xE  }
0x7: {  	s24 =	simm.s32 $0x8;
	s25 =	simm.s32 $0x9;
	s26 =	simm.s32 $0xA  }
0x8: {  	s28 =	simm.s32 $0xB;
	s29 =	simm.s32 $0x0;
	s1 =	sand.u32 $0x1, s1  }
0x9: {  	s4 =	sshll.u32 s3, $0xA;
	s3 =	simm.s32 $0x0;
	s7 =	sadd.s32 $0x300, s2  }
0xa: {  	s5 =	sshll.u32 s1, $0x9;
	s1 =	ssub.s32 $0x2, s1;
	[smem:$0x7FF] =	sst s3  }
0xb: {  	s6 =	sor.u32 s5, s4;
	s30 =	sshrl.u32 s1, $0x1;
	_ =	strace $0x80000047  }
0xc: {  	v2 =	vlaneseq.u32;
	s5 =	sadd.s32 $0x100, s2;
	s4 =	sshrl.u32 s6, $0x3;
	s1 =	ssub.s32 s1, s30  }
0xd: {  	vm0 =	vmmov $0xffff;
	v1 =	vshrl.u32 v2, $0x3;
	s31 =	sshll.u32 s6, $0x7;
	s6 =	sadd.s32 $0x200, s2;
	s0 =	sadd.s32 s4, s0  }
0xe: {  	v0 =	vand.u32 $0x7, v2;
	v2 =	vor.u32 $0x8, v2;
	v1 =	vmul.u32 $0x8, v1;
	s8 =	sadd.s32 s8, s31;
	s9 =	smax.u32 s1, $0x1;
	s4 =	sadd.s32 $0x400, s0  }
.LBB2_1:
0xf: {  	[tilespmem:s3], [sflag:$0xF] =	stream.linear.gather [hbm4b:s4+s3], $0x200, $0x38;
	[tilespmem:$0x1C200] =	vst v63  }
0x10: {  	_ =	swait.ge [sflag:s10], $0x200  }
0x11: {  	[sflag:s10] =	ssyncset.done $0x0  }
0x12: {  	[sflag:s10] =	ssyncadd.s32 $0xFFFFFE00  }
0x13: {  	v3 =	vld [tilespmem:$0x0];
	_ =	sdelay $0x4  }
0x14: {  	v4 =	vshll.u32 v3, $0x3  }
0x15: {  	v3 =	vand.u32 $0x7, v3;
	v4 =	vand.u32 $0xFFFFFFC0, v4  }
0x16: {  	v3 =	vor.u32 v3, v4  }
0x17: {  	v4 =	vperm.xlane v3, v0;
	_ =	sdelay $0x1  }
0x18: {  	v4 =	vadd.s32 v1, v4;
	_ =	sdelay $0x3  }
0x19: {  	s0 =	simm.s32 $0x200  }
0x1a: {  	[tilespmem:s0], [sflag:$0x1] =	stream.indirect_vreg.gather [hbm4b:s2+s3], $0x80, v4, vm0, $0xb8;
	[tilespmem:$0x1C200] =	vst v63  }
0x1b: {  	s15 =	simm.s32 $0xA00;
	v3 =	vperm.xlane v3, v2  }
0x1c: {  	[tilespmem:s15], [sflag:$0x1] =	stream.indirect_vreg.gather [hbm4b:s5+s3], $0x80, v4, vm0, $0xb8;
	[tilespmem:$0x1C200] =	vst v63  }
0x1d: {  	s16 =	simm.s32 $0x1200;
	v3 =	vadd.s32 v1, v3  }
0x1e: {  	[tilespmem:s16], [sflag:$0x1] =	stream.indirect_vreg.gather [hbm4b:s6+s3], $0x80, v4, vm0, $0xb8;
	[tilespmem:$0x1C200] =	vst v63  }
0x1f: {  	s31 =	simm.s32 $0x1A00  }
0x20: {  	[tilespmem:s31], [sflag:$0x1] =	stream.indirect_vreg.gather [hbm4b:s7+s3], $0x80, v4, vm0, $0xb8;
	[tilespmem:$0x1C200] =	vst v63  }
0x21: {  	s1 =	simm.s32 $0x2200  }
0x22: {  	[tilespmem:s1], [sflag:$0x1] =	stream.indirect_vreg.gather [hbm4b:s2+s3], $0x80, v3, vm0, $0xb8;
	[tilespmem:$0x1C200] =	vst v63  }
0x23: {  	s11 =	simm.s32 $0x2A00  }
0x24: {  	[tilespmem:s11], [sflag:$0x1] =	stream.indirect_vreg.gather [hbm4b:s5+s3], $0x80, v3, vm0, $0xb8;
	[tilespmem:$0x1C200] =	vst v63  }
0x25: {  	s12 =	simm.s32 $0x3200  }
0x26: {  	[tilespmem:s12], [sflag:$0x1] =	stream.indirect_vreg.gather [hbm4b:s6+s3], $0x80, v3, vm0, $0xb8;
	[tilespmem:$0x1C200] =	vst v63  }
0x27: {  	s13 =	simm.s32 $0x3A00  }
0x28: {  	[tilespmem:s13], [sflag:$0x1] =	stream.indirect_vreg.gather [hbm4b:s7+s3], $0x80, v3, vm0, $0xb8;
	[tilespmem:$0x1C200] =	vst v63  }
0x29: {  	v3 =	vld [tilespmem:$0x10];
	_ =	sdelay $0x4  }
0x2a: {  	v61 =	vshll.u32 v3, $0x3  }
0x2b: {  	v3 =	vand.u32 $0x7, v3;
	v4 =	vand.u32 $0xFFFFFFC0, v61  }
0x2c: {  	v3 =	vor.u32 v3, v4  }
0x2d: {  	v4 =	vperm.xlane v3, v0;
	_ =	sdelay $0x1  }
0x2e: {  	v4 =	vadd.s32 v1, v4;
	_ =	sdelay $0x3  }
0x2f: {  	s14 =	simm.s32 $0x4200  }
0x30: {  	[tilespmem:s14], [sflag:$0x2] =	stream.indirect_vreg.gather [hbm4b:s2+s3], $0x80, v4, vm0, $0xb8;
	[tilespmem:$0x1C200] =	vst v63  }
0x31: {  	s15 =	simm.s32 $0x4A00;
	v3 =	vperm.xlane v3, v2  }
0x32: {  	[tilespmem:s15], [sflag:$0x2] =	stream.indirect_vreg.gather [hbm4b:s5+s3], $0x80, v4, vm0, $0xb8;
	[tilespmem:$0x1C200] =	vst v63  }
0x33: {  	s16 =	simm.s32 $0x5200;
	v3 =	vadd.s32 v1, v3  }
0x34: {  	[tilespmem:s16], [sflag:$0x2] =	stream.indirect_vreg.gather [hbm4b:s6+s3], $0x80, v4, vm0, $0xb8;
	[tilespmem:$0x1C200] =	vst v63  }
0x35: {  	s31 =	simm.s32 $0x5A00  }
0x36: {  	[tilespmem:s31], [sflag:$0x2] =	stream.indirect_vreg.gather [hbm4b:s7+s3], $0x80, v4, vm0, $0xb8;
	[tilespmem:$0x1C200] =	vst v63  }
0x37: {  	s1 =	simm.s32 $0x6200  }
0x38: {  	[tilespmem:s1], [sflag:$0x2] =	stream.indirect_vreg.gather [hbm4b:s2+s3], $0x80, v3, vm0, $0xb8;
	[tilespmem:$0x1C200] =	vst v63  }
0x39: {  	s11 =	simm.s32 $0x6A00  }
0x3a: {  	[tilespmem:s11], [sflag:$0x2] =	stream.indirect_vreg.gather [hbm4b:s5+s3], $0x80, v3, vm0, $0xb8;
	[tilespmem:$0x1C200] =	vst v63  }
0x3b: {  	s12 =	simm.s32 $0x7200  }
0x3c: {  	[tilespmem:s12], [sflag:$0x2] =	stream.indirect_vreg.gather [hbm4b:s6+s3], $0x80, v3, vm0, $0xb8;
	[tilespmem:$0x1C200] =	vst v63  }
0x3d: {  	s13 =	simm.s32 $0x7A00  }
0x3e: {  	[tilespmem:s13], [sflag:$0x2] =	stream.indirect_vreg.gather [hbm4b:s7+s3], $0x80, v3, vm0, $0xb8;
	[tilespmem:$0x1C200] =	vst v63  }
0x3f: {  	v3 =	vld [tilespmem:$0x20];
	_ =	sdelay $0x4  }
0x40: {  	v62 =	vshll.u32 v3, $0x3  }
0x41: {  	v3 =	vand.u32 $0x7, v3;
	v4 =	vand.u32 $0xFFFFFFC0, v62  }
0x42: {  	v3 =	vor.u32 v3, v4  }
0x43: {  	v4 =	vperm.xlane v3, v0;
	_ =	sdelay $0x1  }
0x44: {  	v4 =	vadd.s32 v1, v4;
	_ =	sdelay $0x3  }
0x45: {  	s14 =	simm.s32 $0x8200  }
0x46: {  	[tilespmem:s14], [sflag:$0x3] =	stream.indirect_vreg.gather [hbm4b:s2+s3], $0x80, v4, vm0, $0xb8;
	[tilespmem:$0x1C200] =	vst v63  }
0x47: {  	s15 =	simm.s32 $0x8A00;
	v3 =	vperm.xlane v3, v2  }
0x48: {  	[tilespmem:s15], [sflag:$0x3] =	stream.indirect_vreg.gather [hbm4b:s5+s3], $0x80, v4, vm0, $0xb8;
	[tilespmem:$0x1C200] =	vst v63  }
0x49: {  	s16 =	simm.s32 $0x9200;
	v3 =	vadd.s32 v1, v3  }
0x4a: {  	[tilespmem:s16], [sflag:$0x3] =	stream.indirect_vreg.gather [hbm4b:s6+s3], $0x80, v4, vm0, $0xb8;
	[tilespmem:$0x1C200] =	vst v63  }
0x4b: {  	s31 =	simm.s32 $0x9A00  }
0x4c: {  	[tilespmem:s31], [sflag:$0x3] =	stream.indirect_vreg.gather [hbm4b:s7+s3], $0x80, v4, vm0, $0xb8;
	[tilespmem:$0x1C200] =	vst v63  }
0x4d: {  	s1 =	simm.s32 $0xA200  }
0x4e: {  	[tilespmem:s1], [sflag:$0x3] =	stream.indirect_vreg.gather [hbm4b:s2+s3], $0x80, v3, vm0, $0xb8;
	[tilespmem:$0x1C200] =	vst v63  }
0x4f: {  	s11 =	simm.s32 $0xAA00  }
0x50: {  	[tilespmem:s11], [sflag:$0x3] =	stream.indirect_vreg.gather [hbm4b:s5+s3], $0x80, v3, vm0, $0xb8;
	[tilespmem:$0x1C200] =	vst v63  }
0x51: {  	s12 =	simm.s32 $0xB200  }
0x52: {  	[tilespmem:s12], [sflag:$0x3] =	stream.indirect_vreg.gather [hbm4b:s6+s3], $0x80, v3, vm0, $0xb8;
	[tilespmem:$0x1C200] =	vst v63  }
0x53: {  	s13 =	simm.s32 $0xBA00  }
0x54: {  	[tilespmem:s13], [sflag:$0x3] =	stream.indirect_vreg.gather [hbm4b:s7+s3], $0x80, v3, vm0, $0xb8;
	[tilespmem:$0x1C200] =	vst v63  }
0x55: {  	v3 =	vld [tilespmem:$0x30];
	_ =	sdelay $0x4  }
0x56: {  	v63 =	vshll.u32 v3, $0x3  }
0x57: {  	v3 =	vand.u32 $0x7, v3;
	v4 =	vand.u32 $0xFFFFFFC0, v63  }
0x58: {  	v3 =	vor.u32 v3, v4  }
0x59: {  	v4 =	vperm.xlane v3, v0;
	_ =	sdelay $0x1  }
0x5a: {  	v4 =	vadd.s32 v1, v4;
	_ =	sdelay $0x3  }
0x5b: {  	s14 =	simm.s32 $0xC200  }
0x5c: {  	[tilespmem:s14], [sflag:$0x4] =	stream.indirect_vreg.gather [hbm4b:s2+s3], $0x80, v4, vm0, $0xb8;
	[tilespmem:$0x1C200] =	vst v63  }
0x5d: {  	s15 =	simm.s32 $0xCA00;
	v3 =	vperm.xlane v3, v2  }
0x5e: {  	[tilespmem:s15], [sflag:$0x4] =	stream.indirect_vreg.gather [hbm4b:s5+s3], $0x80, v4, vm0, $0xb8;
	[tilespmem:$0x1C200] =	vst v63  }
0x5f: {  	s16 =	simm.s32 $0xD200;
	v3 =	vadd.s32 v1, v3  }
0x60: {  	[tilespmem:s16], [sflag:$0x4] =	stream.indirect_vreg.gather [hbm4b:s6+s3], $0x80, v4, vm0, $0xb8;
	[tilespmem:$0x1C200] =	vst v63  }
0x61: {  	s31 =	simm.s32 $0xDA00  }
0x62: {  	[tilespmem:s31], [sflag:$0x4] =	stream.indirect_vreg.gather [hbm4b:s7+s3], $0x80, v4, vm0, $0xb8;
	[tilespmem:$0x1C200] =	vst v63  }
0x63: {  	_ = 	snop  }
0x64: {  	[tilespmem:s17], [sflag:$0x4] =	stream.indirect_vreg.gather [hbm4b:s2+s3], $0x80, v3, vm0, $0xb8;
	[tilespmem:$0x1C200] =	vst v63  }
0x65: {  	_ = 	snop  }
0x66: {  	[tilespmem:s18], [sflag:$0x4] =	stream.indirect_vreg.gather [hbm4b:s5+s3], $0x80, v3, vm0, $0xb8;
	[tilespmem:$0x1C200] =	vst v63  }
0x67: {  	_ = 	snop  }
0x68: {  	[tilespmem:s19], [sflag:$0x4] =	stream.indirect_vreg.gather [hbm4b:s6+s3], $0x80, v3, vm0, $0xb8;
	[tilespmem:$0x1C200] =	vst v63  }
0x69: {  	s30 =	simm.s32 $0x0  }
0x6a: {  	[tilespmem:s20], [sflag:$0x4] =	stream.indirect_vreg.gather [hbm4b:s7+s3], $0x80, v3, vm0, $0xb8;
	[tilespmem:$0x1C200] =	vst v63  }
.LBB2_2:
0x6b: {  	s0 =	smul.u32 $0x25, s30;
	_ =	sdelay $0x1  }
0x6c: {  	s1 =	sadd.s32 $0x94, s0  }
0x6d: {  	s11 =	sadd.s32 $0x4, s30;
	s1 =	sshrl.u32 s1, $0x8  }
0x6e: {  	s12 =	ssub.s32 s11, s1  }
0x6f: {  	s12 =	sand.u32 $0xFE, s12  }
0x70: {  	s12 =	sshrl.u32 s12, $0x1  }
0x71: {  	s1 =	sadd.s32 s1, s12  }
0x72: {  	s1 =	sand.u32 $0xFC, s1  }
0x73: {  	s1 =	sshrl.u32 s1, $0x2  }
0x74: {  	s1 =	smul.u32 $0x7, s1  }
0x75: {  	p0 =	sgt.u32 s30, $0x1B  }
0x76: {  	p1 =	slt.u32 @!p0 s30, $0x3;
	s1 =	ssub.s32 s11, s1  }
0x77: {  	p1 =	por p1, p0;
	s1 =	sand.u32 $0xFF, s1  }
0x78: {  	s12 =	sadd.s32 @!p1 $0x8, s1  }
0x79: {  	_ =	swait.ge @!p1 [sflag:s12], $0x4000  }
0x7a: {  	s11 =	sshll.u32 @!p0 s11, $0x4;
	[sflag:s12] =	ssyncset.done @!p1 $0x0  }
0x7b: {  	s11 =	sand.u32 @!p0 $0x3FFFFFF0, s11;
	[sflag:s12] =	ssyncadd.s32 @!p1 $0xFFFFC000  }
0x7c: {  	v3 =	vld @!p0 [tilespmem:s11+$0x0];
	_ =	sdelay $0x4  }
0x7d: {  	v4 =	vshll.u32 @!p0 v3, $0x3  }
0x7e: {  	v5 =	vlaneseq.u32 @!p0;
	v3 =	vand.u32 @!p0 $0x7, v3;
	v4 =	vand.u32 @!p0 $0xFFFFFFC0, v4  }
0x7f: {  	v6 =	vshrl.u32 @!p0 v5, $0x3;
	v3 =	vor.u32 @!p0 v3, v4;
	v4 =	vand.u32 @!p0 $0x7, v5  }
0x80: {  	v6 =	vmul.u32 @!p0 $0x8, v6;
	v4 =	vperm.xlane @!p0 v3, v4;
	_ =	sdelay $0x1  }
0x81: {  	v4 =	vadd.s32 @!p0 v6, v4  }
0x82: {  	s0 =	sshrl.u32 s0, $0x8  }
0x83: {  	s16 =	ssub.s32 s30, s0  }
0x84: {  	s14 =	simm.s32 @!p0 $0x0;
	s12 =	sshll.u32 @!p0 s1, $0xE;
	s11 =	sand.u32 $0xFE, s16  }
0x85: {  	vm1 =	vmmov @!p0 $0xffff;
	s1 =	sadd.s32 @!p0 $0x1, s1;
	s13 =	sor.u32 @!p0 $0x200, s12;
	s11 =	sshrl.u32 s11, $0x1  }
0x86: {  	v5 =	vor.u32 @!p0 $0x8, v5;
	[tilespmem:s13], [sflag:s1] =	stream.indirect_vreg.gather @!p0 [hbm4b:s2+s14], $0x80, v4, vm1, $0xb8;
	[tilespmem:$0x1C200] =	vst v63  }
0x87: {  	s0 =	sadd.s32 s0, s11;
	s11 =	sor.u32 @!p0 $0xA00, s12;
	v3 =	vperm.xlane @!p0 v3, v5  }
0x88: {  	[tilespmem:s11], [sflag:s1] =	stream.indirect_vreg.gather @!p0 [hbm4b:s5+s14], $0x80, v4, vm1, $0xb8;
	[tilespmem:$0x1C200] =	vst v63  }
0x89: {  	s0 =	sand.u32 $0xFC, s0;
	v3 =	vadd.s32 @!p0 v6, v3;
	s11 =	sor.u32 @!p0 $0x1200, s12  }
0x8a: {  	[tilespmem:s11], [sflag:s1] =	stream.indirect_vreg.gather @!p0 [hbm4b:s6+s14], $0x80, v4, vm1, $0xb8;
	[tilespmem:$0x1C200] =	vst v63  }
0x8b: {  	s0 =	sshrl.u32 s0, $0x2;
	s11 =	sor.u32 @!p0 $0x1A00, s12  }
0x8c: {  	[tilespmem:s11], [sflag:s1] =	stream.indirect_vreg.gather @!p0 [hbm4b:s7+s14], $0x80, v4, vm1, $0xb8;
	[tilespmem:$0x1C200] =	vst v63  }
0x8d: {  	s0 =	smul.u32 $0x7, s0;
	s11 =	sor.u32 @!p0 $0x2200, s12  }
0x8e: {  	[tilespmem:s11], [sflag:s1] =	stream.indirect_vreg.gather @!p0 [hbm4b:s2+s14], $0x80, v3, vm1, $0xb8;
	[tilespmem:$0x1C200] =	vst v63  }
0x8f: {  	s0 =	ssub.s32 s30, s0;
	s11 =	sor.u32 @!p0 $0x2A00, s12  }
0x90: {  	[tilespmem:s11], [sflag:s1] =	stream.indirect_vreg.gather @!p0 [hbm4b:s5+s14], $0x80, v3, vm1, $0xb8;
	[tilespmem:$0x1C200] =	vst v63  }
0x91: {  	s31 =	sand.u32 $0xFF, s0;
	s0 =	sor.u32 @!p0 $0x3200, s12  }
0x92: {  	[tilespmem:s0], [sflag:s1] =	stream.indirect_vreg.gather @!p0 [hbm4b:s6+s14], $0x80, v3, vm1, $0xb8;
	[tilespmem:$0x1C200] =	vst v63  }
0x93: {  	s11 =	sor.u32 @!p0 $0x3A00, s12;
	s0 =	sshll.u32 s31, $0xE  }
0x94: {  	[tilespmem:s11], [sflag:s1] =	stream.indirect_vreg.gather @!p0 [hbm4b:s7+s14], $0x80, v3, vm1, $0xb8;
	v3 =	vmov s0;
	[tilespmem:$0x1C200] =	vst v63  }
0x95: {  	s12 =	sadd.s32 $0x1, s31  }
0x96: {  	s13 =	simm.s32 $0x0;
	_ =	swait.ge [sflag:s12], $0x4000  }
0x97: {  	s14 =	sand.u32 $0x2000, s13;
	s11 =	sand.u32 $0x380, s13;
	[sflag:s12] =	ssyncset.done $0x0  }
0x98: {  	s11 =	sor.u32 s11, s14;
	[sflag:s12] =	ssyncadd.s32 $0xFFFFC000  }
0x99: {  	v4 =	vld.idx.msk [tilespmem:v3+s11+$0x1600 ss:$0x1], $0xffff  }
0x9a: {  	v5 =	vld.idx.msk [tilespmem:v3+s11+$0x200 ss:$0x1], $0xffff  }
0x9b: {  	v6 =	vld.idx.msk [tilespmem:v3+s11+$0x1A00 ss:$0x1], $0xffff  }
0x9c: {  	v7 =	vld.idx.msk [tilespmem:v3+s11+$0x1200 ss:$0x1], $0xffff  }
0x9d: {  	v8 =	vld.idx.msk [tilespmem:v3+s11+$0xE00 ss:$0x1], $0xffff  }
0x9e: {  	v4 =	vmul.f32 $3.200000000e+01, v4  }
0x9f: {  	v5 =	vmul.f32 $3.200000000e+01, v5  }
0xa0: {  	v9 =	vld.idx.msk [tilespmem:v3+s11+$0x600 ss:$0x1], $0xffff;
	[tilespmem:v3+s11+$0x1600 ss:$0x1] =	vst.idx.msk $0xffff, v4;
	v4 =	vmul.f32 $3.200000000e+01, v6  }
0xa1: {  	v6 =	vmul.f32 $3.200000000e+01, v7;
	[tilespmem:v3+s11+$0x200 ss:$0x1] =	vst.idx.msk $0xffff, v5;
	v7 =	vld.idx.msk [tilespmem:v3+s11+$0x1610 ss:$0x1], $0xffff  }
0xa2: {  	v5 =	vmul.f32 $3.200000000e+01, v8;
	v8 =	vld.idx.msk [tilespmem:v3+s11+$0x210 ss:$0x1], $0xffff;
	[tilespmem:v3+s11+$0x1A00 ss:$0x1] =	vst.idx.msk $0xffff, v4  }
0xa3: {  	[tilespmem:v3+s11+$0x1200 ss:$0x1] =	vst.idx.msk $0xffff, v6;
	v4 =	vld.idx.msk [tilespmem:v3+s11+$0x1A10 ss:$0x1], $0xffff  }
0xa4: {  	[tilespmem:v3+s11+$0xE00 ss:$0x1] =	vst.idx.msk $0xffff, v5;
	v5 =	vld.idx.msk [tilespmem:v3+s11+$0x1210 ss:$0x1], $0xffff  }
0xa5: {  	v6 =	vmul.f32 $3.200000000e+01, v9;
	v9 =	vld.idx.msk [tilespmem:v3+s11+$0xE10 ss:$0x1], $0xffff  }
0xa6: {  	v10 =	vld.idx.msk [tilespmem:v3+s11+$0xA00 ss:$0x1], $0xffff;
	v7 =	vmul.f32 $3.200000000e+01, v7  }
0xa7: {  	v11 =	vld.idx.msk [tilespmem:v3+s11+$0x1E00 ss:$0x1], $0xffff;
	[tilespmem:v3+s11+$0x600 ss:$0x1] =	vst.idx.msk $0xffff, v6;
	v8 =	vmul.f32 $3.200000000e+01, v8  }
0xa8: {  	v6 =	vld.idx.msk [tilespmem:v3+s11+$0x610 ss:$0x1], $0xffff;
	v4 =	vmul.f32 $3.200000000e+01, v4;
	[tilespmem:v3+s11+$0x1610 ss:$0x1] =	vst.idx.msk $0xffff, v7  }
0xa9: {  	[tilespmem:v3+s11+$0x210 ss:$0x1] =	vst.idx.msk $0xffff, v8;
	v5 =	vmul.f32 $3.200000000e+01, v5;
	v7 =	vld.idx.msk [tilespmem:v3+s11+$0x1620 ss:$0x1], $0xffff  }
0xaa: {  	v8 =	vld.idx.msk [tilespmem:v3+s11+$0x220 ss:$0x1], $0xffff;
	[tilespmem:v3+s11+$0x1A10 ss:$0x1] =	vst.idx.msk $0xffff, v4;
	v4 =	vmul.f32 $3.200000000e+01, v9  }
0xab: {  	[tilespmem:v3+s11+$0x1210 ss:$0x1] =	vst.idx.msk $0xffff, v5;
	v5 =	vmul.f32 $3.200000000e+01, v10;
	v9 =	vld.idx.msk [tilespmem:v3+s11+$0x1A20 ss:$0x1], $0xffff  }
0xac: {  	v10 =	vld.idx.msk [tilespmem:v3+s11+$0x1220 ss:$0x1], $0xffff;
	[tilespmem:v3+s11+$0xE10 ss:$0x1] =	vst.idx.msk $0xffff, v4;
	v4 =	vmul.f32 $3.200000000e+01, v11  }
0xad: {  	v6 =	vmul.f32 $3.200000000e+01, v6;
	[tilespmem:v3+s11+$0xA00 ss:$0x1] =	vst.idx.msk $0xffff, v5;
	v5 =	vld.idx.msk [tilespmem:v3+s11+$0xE20 ss:$0x1], $0xffff  }
0xae: {  	v11 =	vld.idx.msk [tilespmem:v3+s11+$0xA10 ss:$0x1], $0xffff;
	v7 =	vmul.f32 $3.200000000e+01, v7;
	[tilespmem:v3+s11+$0x1E00 ss:$0x1] =	vst.idx.msk $0xffff, v4  }
0xaf: {  	[tilespmem:v3+s11+$0x610 ss:$0x1] =	vst.idx.msk $0xffff, v6;
	v4 =	vmul.f32 $3.200000000e+01, v8;
	v8 =	vld.idx.msk [tilespmem:v3+s11+$0x1E10 ss:$0x1], $0xffff  }
0xb0: {  	v6 =	vmul.f32 $3.200000000e+01, v9;
	[tilespmem:v3+s11+$0x1620 ss:$0x1] =	vst.idx.msk $0xffff, v7;
	v7 =	vld.idx.msk [tilespmem:v3+s11+$0x620 ss:$0x1], $0xffff  }
0xb1: {  	[tilespmem:v3+s11+$0x220 ss:$0x1] =	vst.idx.msk $0xffff, v4;
	v4 =	vmul.f32 $3.200000000e+01, v10;
	v9 =	vld.idx.msk [tilespmem:v3+s11+$0x1630 ss:$0x1], $0xffff  }
0xb2: {  	v10 =	vld.idx.msk [tilespmem:v3+s11+$0x230 ss:$0x1], $0xffff;
	[tilespmem:v3+s11+$0x1A20 ss:$0x1] =	vst.idx.msk $0xffff, v6;
	v5 =	vmul.f32 $3.200000000e+01, v5  }
0xb3: {  	v6 =	vmul.f32 $3.200000000e+01, v11;
	[tilespmem:v3+s11+$0x1220 ss:$0x1] =	vst.idx.msk $0xffff, v4;
	v11 =	vld.idx.msk [tilespmem:v3+s11+$0x1A30 ss:$0x1], $0xffff  }
0xb4: {  	v4 =	vld.idx.msk [tilespmem:v3+s11+$0x1230 ss:$0x1], $0xffff;
	[tilespmem:v3+s11+$0xE20 ss:$0x1] =	vst.idx.msk $0xffff, v5;
	v5 =	vmul.f32 $3.200000000e+01, v8  }
0xb5: {  	[tilespmem:v3+s11+$0xA10 ss:$0x1] =	vst.idx.msk $0xffff, v6;
	v6 =	vld.idx.msk [tilespmem:v3+s11+$0xE30 ss:$0x1], $0xffff;
	v7 =	vmul.f32 $3.200000000e+01, v7  }
0xb6: {  	[tilespmem:v3+s11+$0x1E10 ss:$0x1] =	vst.idx.msk $0xffff, v5;
	v5 =	vld.idx.msk [tilespmem:v3+s11+$0xA20 ss:$0x1], $0xffff;
	v8 =	vmul.f32 $3.200000000e+01, v9  }
0xb7: {  	v9 =	vmul.f32 $3.200000000e+01, v10;
	v10 =	vld.idx.msk [tilespmem:v3+s11+$0x1E20 ss:$0x1], $0xffff;
	[tilespmem:v3+s11+$0x620 ss:$0x1] =	vst.idx.msk $0xffff, v7  }
0xb8: {  	s15 =	simm.s32 $0x400;
	s16 =	simm.s32 $0x80;
	[tilespmem:v3+s11+$0x1630 ss:$0x1] =	vst.idx.msk $0xffff, v8;
	v7 =	vld.idx.msk [tilespmem:v3+s11+$0x630 ss:$0x1], $0xffff  }
0xb9: {  	s1 =	sand.u32 $0x2000, s15;
	s12 =	sand.u32 $0x380, s16;
	[tilespmem:v3+s11+$0x230 ss:$0x1] =	vst.idx.msk $0xffff, v9;
	v4 =	vmul.f32 $3.200000000e+01, v4;
	v8 =	vld.idx.msk [tilespmem:v3+s11+$0x1640 ss:$0x1], $0xffff  }
0xba: {  	s1 =	sor.u32 s12, s1;
	v9 =	vld.idx.msk [tilespmem:v3+s11+$0x240 ss:$0x1], $0xffff  }
0xbb: {  	v12 =	vld.idx.msk [tilespmem:v3+s1+$0x200 ss:$0x1], $0xffff;
	v6 =	vmul.f32 $3.200000000e+01, v6;
	[tilespmem:v3+s11+$0x1230 ss:$0x1] =	vst.idx.msk $0xffff, v4  }
0xbc: {  	v5 =	vmul.f32 $3.200000000e+01, v5;
	v4 =	vld.idx.msk [tilespmem:v3+s1+$0x1200 ss:$0x1], $0xffff  }
0xbd: {  	v15 =	vld.idx.msk [tilespmem:v3+s11+$0x1240 ss:$0x1], $0xffff;
	[tilespmem:v3+s11+$0xE30 ss:$0x1] =	vst.idx.msk $0xffff, v6;
	v6 =	vmul.f32 $3.200000000e+01, v11  }
0xbe: {  	v11 =	vld.idx.msk [tilespmem:v3+s1+$0x1600 ss:$0x1], $0xffff;
	v10 =	vmul.f32 $3.200000000e+01, v10;
	[tilespmem:v3+s11+$0xA20 ss:$0x1] =	vst.idx.msk $0xffff, v5  }
0xbf: {  	v5 =	vld.idx.msk [tilespmem:v3+s1+$0xE00 ss:$0x1], $0xffff;
	v7 =	vmul.f32 $3.200000000e+01, v7;
	[tilespmem:v3+s11+$0x1A30 ss:$0x1] =	vst.idx.msk $0xffff, v6  }
0xc0: {  	v13 =	vld.idx.msk [tilespmem:v3+s11+$0xA30 ss:$0x1], $0xffff;
	[tilespmem:v3+s11+$0x1E20 ss:$0x1] =	vst.idx.msk $0xffff, v10  }
0xc1: {  	[tilespmem:v3+s11+$0x630 ss:$0x1] =	vst.idx.msk $0xffff, v7;
	v6 =	vld.idx.msk [tilespmem:v3+s11+$0x1A40 ss:$0x1], $0xffff;
	v7 =	vmul.f32 $3.200000000e+01, v8  }
0xc2: {  	v9 =	vmul.f32 $3.200000000e+01, v9;
	v10 =	vld.idx.msk [tilespmem:v3+s11+$0x1E30 ss:$0x1], $0xffff  }
0xc3: {  	v8 =	vld.idx.msk [tilespmem:v3+s1+$0x600 ss:$0x1], $0xffff;
	[tilespmem:v3+s11+$0x1640 ss:$0x1] =	vst.idx.msk $0xffff, v7  }
0xc4: {  	[tilespmem:v3+s11+$0x240 ss:$0x1] =	vst.idx.msk $0xffff, v9;
	v9 =	vmul.f32 $3.200000000e+01, v11;
	v14 =	vld.idx.msk [tilespmem:v3+s11+$0x1650 ss:$0x1], $0xffff  }
0xc5: {  	v7 =	vld.idx.msk [tilespmem:v3+s11+$0x640 ss:$0x1], $0xffff;
	v13 =	vmul.f32 $3.200000000e+01, v13  }
0xc6: {  	v4 =	vmul.f32 $3.200000000e+01, v4;
	v11 =	vld.idx.msk [tilespmem:v3+s11+$0xE40 ss:$0x1], $0xffff;
	[tilespmem:v3+s1+$0x1600 ss:$0x1] =	vst.idx.msk $0xffff, v9  }
0xc7: {  	v6 =	vmul.f32 $3.200000000e+01, v6;
	[tilespmem:v3+s11+$0xA30 ss:$0x1] =	vst.idx.msk $0xffff, v13;
	v13 =	vld.idx.msk [tilespmem:v3+s1+$0x1610 ss:$0x1], $0xffff  }
0xc8: {  	v15 =	vmul.f32 $3.200000000e+01, v15;
	[tilespmem:v3+s1+$0x1200 ss:$0x1] =	vst.idx.msk $0xffff, v4;
	v9 =	vld.idx.msk [tilespmem:v3+s11+$0xA40 ss:$0x1], $0xffff  }
0xc9: {  	[tilespmem:v3+s11+$0x1A40 ss:$0x1] =	vst.idx.msk $0xffff, v6;
	v6 =	vld.idx.msk [tilespmem:v3+s1+$0xA00 ss:$0x1], $0xffff;
	v4 =	vmul.f32 $3.200000000e+01, v14  }
0xca: {  	[tilespmem:v3+s11+$0x1240 ss:$0x1] =	vst.idx.msk $0xffff, v15;
	v8 =	vmul.f32 $3.200000000e+01, v8;
	v14 =	vld.idx.msk [tilespmem:v3+s1+$0x1A00 ss:$0x1], $0xffff  }
0xcb: {  	v15 =	vld.idx.msk [tilespmem:v3+s11+$0x1A50 ss:$0x1], $0xffff;
	[tilespmem:v3+s11+$0x1650 ss:$0x1] =	vst.idx.msk $0xffff, v4;
	v4 =	vmul.f32 $3.200000000e+01, v10  }
0xcc: {  	[tilespmem:v3+s1+$0x600 ss:$0x1] =	vst.idx.msk $0xffff, v8;
	v10 =	vmul.f32 $3.200000000e+01, v12;
	v12 =	vld.idx.msk [tilespmem:v3+s11+$0x250 ss:$0x1], $0xffff  }
0xcd: {  	v9 =	vmul.f32 $3.200000000e+01, v9;
	[tilespmem:v3+s11+$0x1E30 ss:$0x1] =	vst.idx.msk $0xffff, v4;
	v4 =	vmul.f32 $3.200000000e+01, v5;
	v5 =	vld.idx.msk [tilespmem:v3+s11+$0x1250 ss:$0x1], $0xffff  }
0xce: {  	[tilespmem:v3+s1+$0x200 ss:$0x1] =	vst.idx.msk $0xffff, v10;
	v10 =	vld.idx.msk [tilespmem:v3+s11+$0x1E40 ss:$0x1], $0xffff  }
0xcf: {  	v14 =	vmul.f32 $3.200000000e+01, v14;
	[tilespmem:v3+s11+$0xA40 ss:$0x1] =	vst.idx.msk $0xffff, v9;
	v9 =	vld.idx.msk [tilespmem:v3+s1+$0x210 ss:$0x1], $0xffff  }
0xd0: {  	v7 =	vmul.f32 $3.200000000e+01, v7;
	[tilespmem:v3+s1+$0xE00 ss:$0x1] =	vst.idx.msk $0xffff, v4;
	v4 =	vmul.f32 $3.200000000e+01, v11;
	v11 =	vld.idx.msk [tilespmem:v3+s1+$0x1210 ss:$0x1], $0xffff  }
0xd1: {  	[tilespmem:v3+s1+$0x1A00 ss:$0x1] =	vst.idx.msk $0xffff, v14;
	v14 =	vld.idx.msk [tilespmem:v3+s1+$0x1E00 ss:$0x1], $0xffff  }
0xd2: {  	[tilespmem:v3+s11+$0x640 ss:$0x1] =	vst.idx.msk $0xffff, v7;
	v12 =	vmul.f32 $3.200000000e+01, v12;
	v16 =	vld.idx.msk [tilespmem:v3+s11+$0xA50 ss:$0x1], $0xffff  }
0xd3: {  	[tilespmem:v3+s11+$0xE40 ss:$0x1] =	vst.idx.msk $0xffff, v4;
	v4 =	vmul.f32 $3.200000000e+01, v15;
	v15 =	vld.idx.msk [tilespmem:v3+s1+$0x1A10 ss:$0x1], $0xffff  }
0xd4: {  	v7 =	vld.idx.msk [tilespmem:v3+s11+$0xE50 ss:$0x1], $0xffff;
	v5 =	vmul.f32 $3.200000000e+01, v5;
	[tilespmem:v3+s11+$0x250 ss:$0x1] =	vst.idx.msk $0xffff, v12  }
0xd5: {  	v6 =	vmul.f32 $3.200000000e+01, v6;
	[tilespmem:v3+s11+$0x1A50 ss:$0x1] =	vst.idx.msk $0xffff, v4;
	v4 =	vld.idx.msk [tilespmem:v3+s11+$0x650 ss:$0x1], $0xffff  }
0xd6: {  	v9 =	vmul.f32 $3.200000000e+01, v9;
	[tilespmem:v3+s11+$0x1250 ss:$0x1] =	vst.idx.msk $0xffff, v5;
	v5 =	vld.idx.msk [tilespmem:v3+s11+$0x260 ss:$0x1], $0xffff  }
0xd7: {  	[tilespmem:v3+s1+$0xA00 ss:$0x1] =	vst.idx.msk $0xffff, v6;
	v12 =	vld.idx.msk [tilespmem:v3+s11+$0x1A60 ss:$0x1], $0xffff;
	v8 =	vmul.f32 $3.200000000e+01, v11  }
0xd8: {  	[tilespmem:v3+s1+$0x210 ss:$0x1] =	vst.idx.msk $0xffff, v9;
	v9 =	vmul.f32 $3.200000000e+01, v13;
	v13 =	vld.idx.msk [tilespmem:v3+s1+$0xE10 ss:$0x1], $0xffff  }
0xd9: {  	v11 =	vmul.f32 $3.200000000e+01, v15;
	v15 =	vld.idx.msk [tilespmem:v3+s11+$0x1260 ss:$0x1], $0xffff;
	[tilespmem:v3+s1+$0x1210 ss:$0x1] =	vst.idx.msk $0xffff, v8  }
0xda: {  	v8 =	vld.idx.msk [tilespmem:v3+s11+$0x1660 ss:$0x1], $0xffff;
	[tilespmem:v3+s1+$0x1610 ss:$0x1] =	vst.idx.msk $0xffff, v9;
	v4 =	vmul.f32 $3.200000000e+01, v4  }
0xdb: {  	v9 =	vld.idx.msk [tilespmem:v3+s1+$0x220 ss:$0x1], $0xffff;
	[tilespmem:v3+s1+$0x1A10 ss:$0x1] =	vst.idx.msk $0xffff, v11;
	v5 =	vmul.f32 $3.200000000e+01, v5  }
0xdc: {  	v11 =	vld.idx.msk [tilespmem:v3+s1+$0x1620 ss:$0x1], $0xffff;
	v6 =	vmul.f32 $3.200000000e+01, v12;
	[tilespmem:v3+s11+$0x650 ss:$0x1] =	vst.idx.msk $0xffff, v4  }
0xdd: {  	v4 =	vmul.f32 $3.200000000e+01, v10;
	v10 =	vld.idx.msk [tilespmem:v3+s11+$0x660 ss:$0x1], $0xffff;
	[tilespmem:v3+s11+$0x260 ss:$0x1] =	vst.idx.msk $0xffff, v5  }
0xde: {  	v5 =	vmul.f32 $3.200000000e+01, v7;
	v7 =	vld.idx.msk [tilespmem:v3+s1+$0x1A20 ss:$0x1], $0xffff;
	[tilespmem:v3+s11+$0x1A60 ss:$0x1] =	vst.idx.msk $0xffff, v6  }
0xdf: {  	v12 =	vmul.f32 $3.200000000e+01, v13;
	[tilespmem:v3+s11+$0x1E40 ss:$0x1] =	vst.idx.msk $0xffff, v4;
	v4 =	vld.idx.msk [tilespmem:v3+s1+$0x1220 ss:$0x1], $0xffff  }
0xe0: {  	v14 =	vmul.f32 $3.200000000e+01, v14;
	v6 =	vld.idx.msk [tilespmem:v3+s11+$0x1E50 ss:$0x1], $0xffff;
	[tilespmem:v3+s11+$0xE50 ss:$0x1] =	vst.idx.msk $0xffff, v5  }
0xe1: {  	v5 =	vld.idx.msk [tilespmem:v3+s1+$0xA10 ss:$0x1], $0xffff;
	[tilespmem:v3+s1+$0xE10 ss:$0x1] =	vst.idx.msk $0xffff, v12;
	v12 =	vmul.f32 $3.200000000e+01, v15  }
0xe2: {  	[tilespmem:v3+s1+$0x1E00 ss:$0x1] =	vst.idx.msk $0xffff, v14;
	v9 =	vmul.f32 $3.200000000e+01, v9;
	v13 =	vld.idx.msk [tilespmem:v3+s11+$0xE60 ss:$0x1], $0xffff  }
0xe3: {  	v8 =	vmul.f32 $3.200000000e+01, v8;
	[tilespmem:v3+s11+$0x1260 ss:$0x1] =	vst.idx.msk $0xffff, v12;
	v12 =	vld.idx.msk [tilespmem:v3+s11+$0x1A70 ss:$0x1], $0xffff  }
0xe4: {  	[tilespmem:v3+s1+$0x220 ss:$0x1] =	vst.idx.msk $0xffff, v9;
	v9 =	vmul.f32 $3.200000000e+01, v10;
	v10 =	vld.idx.msk [tilespmem:v3+s1+$0x610 ss:$0x1], $0xffff  }
0xe5: {  	[tilespmem:v3+s11+$0x1660 ss:$0x1] =	vst.idx.msk $0xffff, v8;
	v11 =	vmul.f32 $3.200000000e+01, v11;
	v14 =	vld.idx.msk [tilespmem:v3+s1+$0x230 ss:$0x1], $0xffff  }
0xe6: {  	v7 =	vmul.f32 $3.200000000e+01, v7;
	[tilespmem:v3+s11+$0x660 ss:$0x1] =	vst.idx.msk $0xffff, v9;
	v9 =	vld.idx.msk [tilespmem:v3+s1+$0xE20 ss:$0x1], $0xffff  }
0xe7: {  	[tilespmem:v3+s1+$0x1620 ss:$0x1] =	vst.idx.msk $0xffff, v11;
	v11 =	vld.idx.msk [tilespmem:v3+s11+$0x270 ss:$0x1], $0xffff;
	v6 =	vmul.f32 $3.200000000e+01, v6  }
0xe8: {  	[tilespmem:v3+s1+$0x1A20 ss:$0x1] =	vst.idx.msk $0xffff, v7;
	v7 =	vld.idx.msk [tilespmem:v3+s11+$0x1670 ss:$0x1], $0xffff;
	v5 =	vmul.f32 $3.200000000e+01, v5  }
0xe9: {  	v13 =	vmul.f32 $3.200000000e+01, v13;
	[tilespmem:v3+s11+$0x1E50 ss:$0x1] =	vst.idx.msk $0xffff, v6;
	v6 =	vld.idx.msk [tilespmem:v3+s1+$0x1E10 ss:$0x1], $0xffff  }
0xea: {  	[tilespmem:v3+s1+$0xA10 ss:$0x1] =	vst.idx.msk $0xffff, v5;
	v8 =	vmul.f32 $3.200000000e+01, v10;
	v10 =	vld.idx.msk [tilespmem:v3+s11+$0x1E60 ss:$0x1], $0xffff  }
0xeb: {  	[tilespmem:v3+s11+$0xE60 ss:$0x1] =	vst.idx.msk $0xffff, v13;
	v13 =	vld.idx.msk [tilespmem:v3+s11+$0x670 ss:$0x1], $0xffff;
	v9 =	vmul.f32 $3.200000000e+01, v9  }
0xec: {  	v15 =	vld.idx.msk [tilespmem:v3+s11+$0xE70 ss:$0x1], $0xffff;
	[tilespmem:v3+s1+$0x610 ss:$0x1] =	vst.idx.msk $0xffff, v8;
	v8 =	vmul.f32 $3.200000000e+01, v4  }
0xed: {  	v5 =	vmul.f32 $3.200000000e+01, v14;
	v4 =	vld.idx.msk [tilespmem:v3+s1+$0x1A30 ss:$0x1], $0xffff;
	[tilespmem:v3+s1+$0xE20 ss:$0x1] =	vst.idx.msk $0xffff, v9  }
0xee: {  	v9 =	vld.idx.msk [tilespmem:v3+s1+$0x1630 ss:$0x1], $0xffff;
	[tilespmem:v3+s1+$0x1220 ss:$0x1] =	vst.idx.msk $0xffff, v8;
	v8 =	vmul.f32 $3.200000000e+01, v11  }
0xef: {  	[tilespmem:v3+s1+$0x230 ss:$0x1] =	vst.idx.msk $0xffff, v5;
	v14 =	vld.idx.msk [tilespmem:v3+s1+$0x620 ss:$0x1], $0xffff;
	v6 =	vmul.f32 $3.200000000e+01, v6  }
0xf0: {  	v5 =	vld.idx.msk [tilespmem:v3+s1+$0x1230 ss:$0x1], $0xffff;
	[tilespmem:v3+s11+$0x270 ss:$0x1] =	vst.idx.msk $0xffff, v8;
	v8 =	vmul.f32 $3.200000000e+01, v16  }
0xf1: {  	v7 =	vmul.f32 $3.200000000e+01, v7;
	v63 =	vld.idx.msk [tilespmem:v3+s1+$0xE30 ss:$0x1], $0xffff;
	[tilespmem:v3+s1+$0x1E10 ss:$0x1] =	vst.idx.msk $0xffff, v6  }
0xf2: {  	v6 =	vld.idx.msk [tilespmem:v3+s11+$0x1270 ss:$0x1], $0xffff;
	[tilespmem:v3+s11+$0xA50 ss:$0x1] =	vst.idx.msk $0xffff, v8;
	v8 =	vmul.f32 $3.200000000e+01, v12  }
0xf3: {  	[tilespmem:v3+s11+$0x1670 ss:$0x1] =	vst.idx.msk $0xffff, v7;
	v11 =	vld.idx.msk [tilespmem:v3+s1+$0xA20 ss:$0x1], $0xffff;
	v17 =	vmul.f32 $3.200000000e+01, v9  }
0xf4: {  	v7 =	vmul.f32 $3.200000000e+01, v14;
	v12 =	vld.idx.msk [tilespmem:v3+s11+$0xA60 ss:$0x1], $0xffff;
	[tilespmem:v3+s11+$0x1A70 ss:$0x1] =	vst.idx.msk $0xffff, v8  }
0xf5: {  	v14 =	vmul.f32 $3.200000000e+01, v13;
	v8 =	vmul.f32 $3.200000000e+01, v10;
	v10 =	vld.idx.msk [tilespmem:v3+s1+$0x1E20 ss:$0x1], $0xffff;
	[tilespmem:v3+s1+$0x1630 ss:$0x1] =	vst.idx.msk $0xffff, v17  }
0xf6: {  	s13 =	simm.s32 $0x800;
	s12 =	simm.s32 $0x100;
	v9 =	vmul.f32 $3.200000000e+01, v15;
	[tilespmem:v3+s1+$0x620 ss:$0x1] =	vst.idx.msk $0xffff, v7;
	v13 =	vmul.f32 $3.200000000e+01, v63;
	v7 =	vld.idx.msk [tilespmem:v3+s1+$0x1640 ss:$0x1], $0xffff  }
.LBB2_3:
0xf7: {  	s14 =	smov.u32 s13  }
0xf8: {  	s15 =	sand.u32 $0x2000, s13;
	s16 =	sand.u32 $0x380, s12;
	v15 =	vld.idx.msk [tilespmem:v3+s1+$0x630 ss:$0x1], $0xffff;
	[tilespmem:v3+s11+$0x670 ss:$0x1] =	vst.idx.msk $0xffff, v14;
	s14 =	sadd.s32 $0x400, s13  }
0xf9: {  	p0 =	sne.s32 s13, $0x3C00;
	s15 =	sor.u32 s16, s15;
	v14 =	vld.idx.msk [tilespmem:v3+s1+$0x240 ss:$0x1], $0xffff;
	[tilespmem:v3+s1+$0xE30 ss:$0x1] =	vst.idx.msk $0xffff, v13  }
0xfa: {  	v4 =	vmul.f32 $3.200000000e+01, v4;
	v11 =	vmul.f32 $3.200000000e+01, v11;
	v13 =	vld.idx.msk [tilespmem:v3+s15+$0x200 ss:$0x1], $0xffff;
	[tilespmem:v3+s11+$0x1E60 ss:$0x1] =	vst.idx.msk $0xffff, v8  }
0xfb: {  	v5 =	vmul.f32 $3.200000000e+01, v5;
	v8 =	vmul.f32 $3.200000000e+01, v12;
	[tilespmem:v3+s11+$0xE70 ss:$0x1] =	vst.idx.msk $0xffff, v9;
	v9 =	vld.idx.msk [tilespmem:v3+s11+$0x1E70 ss:$0x1], $0xffff  }
0xfc: {  	v6 =	vmul.f32 $3.200000000e+01, v6;
	v12 =	vld.idx.msk [tilespmem:v3+s15+$0x1600 ss:$0x1], $0xffff;
	[tilespmem:v3+s1+$0xA20 ss:$0x1] =	vst.idx.msk $0xffff, v11  }
0xfd: {  	v10 =	vmul.f32 $3.200000000e+01, v10;
	v7 =	vmul.f32 $3.200000000e+01, v7;
	v11 =	vld.idx.msk [tilespmem:v3+s15+$0xE00 ss:$0x1], $0xffff;
	[tilespmem:v3+s11+$0xA60 ss:$0x1] =	vst.idx.msk $0xffff, v8  }
0xfe: {  	v8 =	vmul.f32 $3.200000000e+01, v15;
	v15 =	vld.idx.msk [tilespmem:v3+s1+$0xA30 ss:$0x1], $0xffff;
	[tilespmem:v3+s1+$0x1A30 ss:$0x1] =	vst.idx.msk $0xffff, v4  }
0xff: {  	v4 =	vld.idx.msk [tilespmem:v3+s11+$0xA70 ss:$0x1], $0xffff;
	[tilespmem:v3+s11+$0x1270 ss:$0x1] =	vst.idx.msk $0xffff, v6  }
0x100: {  	[tilespmem:v3+s1+$0x630 ss:$0x1] =	vst.idx.msk $0xffff, v8;
	v6 =	vld.idx.msk [tilespmem:v3+s1+$0x1A40 ss:$0x1], $0xffff  }
0x101: {  	v14 =	vmul.f32 $3.200000000e+01, v14;
	v8 =	vld.idx.msk [tilespmem:v3+s15+$0x600 ss:$0x1], $0xffff;
	[tilespmem:v3+s1+$0x1230 ss:$0x1] =	vst.idx.msk $0xffff, v5  }
0x102: {  	v5 =	vld.idx.msk [tilespmem:v3+s15+$0x1200 ss:$0x1], $0xffff;
	[tilespmem:v3+s1+$0x1640 ss:$0x1] =	vst.idx.msk $0xffff, v7;
	v7 =	vmul.f32 $3.200000000e+01, v9  }
0x103: {  	[tilespmem:v3+s1+$0x240 ss:$0x1] =	vst.idx.msk $0xffff, v14;
	v9 =	vld.idx.msk [tilespmem:v3+s1+$0x640 ss:$0x1], $0xffff  }
0x104: {  	v14 =	vmul.f32 $3.200000000e+01, v15;
	v15 =	vld.idx.msk [tilespmem:v3+s1+$0x1650 ss:$0x1], $0xffff;
	[tilespmem:v3+s11+$0x1E70 ss:$0x1] =	vst.idx.msk $0xffff, v7  }
0x105: {  	v7 =	vmul.f32 $3.200000000e+01, v12;
	v4 =	vmul.f32 $3.200000000e+01, v4;
	v12 =	vld.idx.msk [tilespmem:v3+s1+$0x1240 ss:$0x1], $0xffff;
	[tilespmem:v3+s1+$0x1E20 ss:$0x1] =	vst.idx.msk $0xffff, v10  }
0x106: {  	[tilespmem:v3+s1+$0xA30 ss:$0x1] =	vst.idx.msk $0xffff, v14;
	v10 =	vld.idx.msk [tilespmem:v3+s1+$0x1E30 ss:$0x1], $0xffff  }
0x107: {  	v11 =	vmul.f32 $3.200000000e+01, v11;
	v14 =	vld.idx.msk [tilespmem:v3+s1+$0xE40 ss:$0x1], $0xffff;
	[tilespmem:v3+s11+$0xA70 ss:$0x1] =	vst.idx.msk $0xffff, v4;
	s11 =	smov.u32 s1;
	s1 =	smov.u32 s15  }
0x108: {  	v6 =	vmul.f32 $3.200000000e+01, v6;
	v4 =	vmul.f32 $3.200000000e+01, v5;
	[tilespmem:v3+s1+$0x1600 ss:$0x1] =	vst.idx.msk $0xffff, v7;
	v5 =	vld.idx.msk [tilespmem:v3+s11+$0xA40 ss:$0x1], $0xffff  }
0x109: {  	v7 =	vld.idx.msk [tilespmem:v3+s1+$0x1610 ss:$0x1], $0xffff  }
0x10a: {  	v13 =	vmul.f32 $3.200000000e+01, v13;
	v15 =	vmul.f32 $3.200000000e+01, v15;
	[tilespmem:v3+s1+$0x1200 ss:$0x1] =	vst.idx.msk $0xffff, v4;
	v4 =	vld.idx.msk [tilespmem:v3+s1+$0x1A00 ss:$0x1], $0xffff  }
0x10b: {  	v12 =	vmul.f32 $3.200000000e+01, v12;
	v16 =	vld.idx.msk [tilespmem:v3+s1+$0xA00 ss:$0x1], $0xffff;
	[tilespmem:v3+s11+$0x1A40 ss:$0x1] =	vst.idx.msk $0xffff, v6  }
0x10c: {  	v6 =	vmul.f32 $3.200000000e+01, v8;
	v10 =	vmul.f32 $3.200000000e+01, v10;
	v8 =	vld.idx.msk [tilespmem:v3+s11+$0x250 ss:$0x1], $0xffff;
	[tilespmem:v3+s11+$0x1650 ss:$0x1] =	vst.idx.msk $0xffff, v15  }
0x10d: {  	[tilespmem:v3+s11+$0x1240 ss:$0x1] =	vst.idx.msk $0xffff, v12;
	v12 =	vld.idx.msk [tilespmem:v3+s11+$0x1A50 ss:$0x1], $0xffff  }
0x10e: {  	v5 =	vmul.f32 $3.200000000e+01, v5;
	v15 =	vld.idx.msk [tilespmem:v3+s11+$0x1250 ss:$0x1], $0xffff;
	[tilespmem:v3+s11+$0x1E30 ss:$0x1] =	vst.idx.msk $0xffff, v10  }
0x10f: {  	[tilespmem:v3+s1+$0x200 ss:$0x1] =	vst.idx.msk $0xffff, v13;
	v10 =	vld.idx.msk [tilespmem:v3+s11+$0x1E40 ss:$0x1], $0xffff  }
0x110: {  	v4 =	vmul.f32 $3.200000000e+01, v4;
	v13 =	vld.idx.msk [tilespmem:v3+s1+$0x210 ss:$0x1], $0xffff;
	[tilespmem:v3+s11+$0xA40 ss:$0x1] =	vst.idx.msk $0xffff, v5  }
0x111: {  	[tilespmem:v3+s1+$0xE00 ss:$0x1] =	vst.idx.msk $0xffff, v11;
	v5 =	vld.idx.msk [tilespmem:v3+s1+$0x1210 ss:$0x1], $0xffff;
	v11 =	vmul.f32 $3.200000000e+01, v14  }
0x112: {  	v9 =	vmul.f32 $3.200000000e+01, v9;
	[tilespmem:v3+s1+$0x1A00 ss:$0x1] =	vst.idx.msk $0xffff, v4;
	v4 =	vld.idx.msk [tilespmem:v3+s1+$0x1E00 ss:$0x1], $0xffff  }
0x113: {  	v14 =	vld.idx.msk [tilespmem:v3+s1+$0x1A10 ss:$0x1], $0xffff;
	[tilespmem:v3+s11+$0xE40 ss:$0x1] =	vst.idx.msk $0xffff, v11;
	v11 =	vmul.f32 $3.200000000e+01, v12  }
0x114: {  	v8 =	vmul.f32 $3.200000000e+01, v8;
	[tilespmem:v3+s11+$0x640 ss:$0x1] =	vst.idx.msk $0xffff, v9;
	v9 =	vld.idx.msk [tilespmem:v3+s11+$0xE50 ss:$0x1], $0xffff  }
0x115: {  	v15 =	vmul.f32 $3.200000000e+01, v15;
	v12 =	vld.idx.msk [tilespmem:v3+s11+$0x650 ss:$0x1], $0xffff;
	[tilespmem:v3+s11+$0x1A50 ss:$0x1] =	vst.idx.msk $0xffff, v11  }
0x116: {  	v11 =	vmul.f32 $3.200000000e+01, v13;
	[tilespmem:v3+s11+$0x250 ss:$0x1] =	vst.idx.msk $0xffff, v8;
	v8 =	vld.idx.msk [tilespmem:v3+s11+$0x1A60 ss:$0x1], $0xffff  }
0x117: {  	v13 =	vld.idx.msk [tilespmem:v3+s11+$0x260 ss:$0x1], $0xffff;
	[tilespmem:v3+s11+$0x1250 ss:$0x1] =	vst.idx.msk $0xffff, v15  }
0x118: {  	v7 =	vmul.f32 $3.200000000e+01, v7;
	[tilespmem:v3+s1+$0x210 ss:$0x1] =	vst.idx.msk $0xffff, v11;
	v11 =	vld.idx.msk [tilespmem:v3+s1+$0xE10 ss:$0x1], $0xffff  }
0x119: {  	v5 =	vmul.f32 $3.200000000e+01, v5;
	[tilespmem:v3+s1+$0x600 ss:$0x1] =	vst.idx.msk $0xffff, v6;
	v6 =	vmul.f32 $3.200000000e+01, v14;
	v14 =	vld.idx.msk [tilespmem:v3+s11+$0x1260 ss:$0x1], $0xffff  }
0x11a: {  	v15 =	vld.idx.msk [tilespmem:v3+s1+$0x220 ss:$0x1], $0xffff;
	[tilespmem:v3+s1+$0x1610 ss:$0x1] =	vst.idx.msk $0xffff, v7;
	v7 =	vmul.f32 $3.200000000e+01, v9  }
0x11b: {  	[tilespmem:v3+s1+$0x1210 ss:$0x1] =	vst.idx.msk $0xffff, v5;
	v5 =	vmul.f32 $3.200000000e+01, v12;
	v9 =	vld.idx.msk [tilespmem:v3+s11+$0x1660 ss:$0x1], $0xffff  }
0x11c: {  	v12 =	vmul.f32 $3.200000000e+01, v16;
	v16 =	vld.idx.msk [tilespmem:v3+s1+$0x1620 ss:$0x1], $0xffff;
	[tilespmem:v3+s1+$0x1A10 ss:$0x1] =	vst.idx.msk $0xffff, v6  }
0x11d: {  	v6 =	vmul.f32 $3.200000000e+01, v13;
	[tilespmem:v3+s11+$0x650 ss:$0x1] =	vst.idx.msk $0xffff, v5;
	v13 =	vld.idx.msk [tilespmem:v3+s11+$0xA50 ss:$0x1], $0xffff;
	v5 =	vmul.f32 $3.200000000e+01, v8  }
0x11e: {  	v10 =	vmul.f32 $3.200000000e+01, v10;
	[tilespmem:v3+s1+$0xA00 ss:$0x1] =	vst.idx.msk $0xffff, v12;
	v8 =	vld.idx.msk [tilespmem:v3+s11+$0x660 ss:$0x1], $0xffff  }
0x11f: {  	v12 =	vld.idx.msk [tilespmem:v3+s1+$0x1A20 ss:$0x1], $0xffff;
	[tilespmem:v3+s11+$0x260 ss:$0x1] =	vst.idx.msk $0xffff, v6  }
0x120: {  	v6 =	vld.idx.msk [tilespmem:v3+s1+$0x1220 ss:$0x1], $0xffff;
	[tilespmem:v3+s11+$0x1E40 ss:$0x1] =	vst.idx.msk $0xffff, v10  }
0x121: {  	v10 =	vmul.f32 $3.200000000e+01, v11;
	[tilespmem:v3+s11+$0x1A60 ss:$0x1] =	vst.idx.msk $0xffff, v5;
	v5 =	vld.idx.msk [tilespmem:v3+s11+$0x1E50 ss:$0x1], $0xffff  }
0x122: {  	v11 =	vmul.f32 $3.200000000e+01, v15;
	v15 =	vld.idx.msk [tilespmem:v3+s1+$0xA10 ss:$0x1], $0xffff;
	[tilespmem:v3+s11+$0xE50 ss:$0x1] =	vst.idx.msk $0xffff, v7  }
0x123: {  	[tilespmem:v3+s1+$0xE10 ss:$0x1] =	vst.idx.msk $0xffff, v10;
	v7 =	vld.idx.msk [tilespmem:v3+s11+$0xE60 ss:$0x1], $0xffff;
	v10 =	vmul.f32 $3.200000000e+01, v14  }
0x124: {  	v8 =	vmul.f32 $3.200000000e+01, v8;
	[tilespmem:v3+s1+$0x220 ss:$0x1] =	vst.idx.msk $0xffff, v11;
	v11 =	vld.idx.msk [tilespmem:v3+s1+$0x610 ss:$0x1], $0xffff  }
0x125: {  	v4 =	vmul.f32 $3.200000000e+01, v4;
	[tilespmem:v3+s11+$0x1260 ss:$0x1] =	vst.idx.msk $0xffff, v10;
	v10 =	vld.idx.msk [tilespmem:v3+s11+$0x1A70 ss:$0x1], $0xffff  }
0x126: {  	v16 =	vmul.f32 $3.200000000e+01, v16;
	v14 =	vld.idx.msk [tilespmem:v3+s1+$0xE20 ss:$0x1], $0xffff;
	[tilespmem:v3+s11+$0x660 ss:$0x1] =	vst.idx.msk $0xffff, v8  }
0x127: {  	v12 =	vmul.f32 $3.200000000e+01, v12;
	v8 =	vld.idx.msk [tilespmem:v3+s1+$0x230 ss:$0x1], $0xffff;
	[tilespmem:v3+s1+$0x1E00 ss:$0x1] =	vst.idx.msk $0xffff, v4;
	v4 =	vmul.f32 $3.200000000e+01, v5  }
0x128: {  	v9 =	vmul.f32 $3.200000000e+01, v9;
	[tilespmem:v3+s1+$0x1620 ss:$0x1] =	vst.idx.msk $0xffff, v16;
	v5 =	vld.idx.msk [tilespmem:v3+s11+$0x270 ss:$0x1], $0xffff  }
0x129: {  	v7 =	vmul.f32 $3.200000000e+01, v7;
	v16 =	vld.idx.msk [tilespmem:v3+s1+$0x1E10 ss:$0x1], $0xffff;
	[tilespmem:v3+s11+$0x1E50 ss:$0x1] =	vst.idx.msk $0xffff, v4  }
0x12a: {  	v4 =	vmul.f32 $3.200000000e+01, v11;
	[tilespmem:v3+s11+$0x1660 ss:$0x1] =	vst.idx.msk $0xffff, v9;
	v9 =	vld.idx.msk [tilespmem:v3+s11+$0x1E60 ss:$0x1], $0xffff  }
0x12b: {  	v6 =	vmul.f32 $3.200000000e+01, v6;
	[tilespmem:v3+s1+$0x1A20 ss:$0x1] =	vst.idx.msk $0xffff, v12;
	v11 =	vld.idx.msk [tilespmem:v3+s11+$0x1670 ss:$0x1], $0xffff  }
0x12c: {  	v12 =	vmul.f32 $3.200000000e+01, v15;
	v14 =	vmul.f32 $3.200000000e+01, v14;
	v15 =	vld.idx.msk [tilespmem:v3+s11+$0x670 ss:$0x1], $0xffff;
	[tilespmem:v3+s11+$0xE60 ss:$0x1] =	vst.idx.msk $0xffff, v7  }
0x12d: {  	[tilespmem:v3+s1+$0x610 ss:$0x1] =	vst.idx.msk $0xffff, v4;
	v7 =	vld.idx.msk [tilespmem:v3+s11+$0xE70 ss:$0x1], $0xffff  }
0x12e: {  	[tilespmem:v3+s1+$0xA10 ss:$0x1] =	vst.idx.msk $0xffff, v12;
	v4 =	vld.idx.msk [tilespmem:v3+s1+$0x1A30 ss:$0x1], $0xffff  }
0x12f: {  	v12 =	vmul.f32 $3.200000000e+01, v8;
	[tilespmem:v3+s1+$0xE20 ss:$0x1] =	vst.idx.msk $0xffff, v14;
	v14 =	vld.idx.msk [tilespmem:v3+s1+$0x1630 ss:$0x1], $0xffff  }
0x130: {  	v8 =	vmul.f32 $3.200000000e+01, v9;
	v17 =	vld.idx.msk [tilespmem:v3+s1+$0x620 ss:$0x1], $0xffff;
	[tilespmem:v3+s1+$0x1220 ss:$0x1] =	vst.idx.msk $0xffff, v6;
	v6 =	vmul.f32 $3.200000000e+01, v5  }
0x131: {  	v9 =	vmul.f32 $3.200000000e+01, v16;
	[tilespmem:v3+s1+$0x230 ss:$0x1] =	vst.idx.msk $0xffff, v12;
	v5 =	vld.idx.msk [tilespmem:v3+s1+$0x1230 ss:$0x1], $0xffff;
	v12 =	vmul.f32 $3.200000000e+01, v11  }
0x132: {  	v11 =	vmul.f32 $3.200000000e+01, v13;
	v16 =	vld.idx.msk [tilespmem:v3+s1+$0xE30 ss:$0x1], $0xffff;
	[tilespmem:v3+s11+$0x270 ss:$0x1] =	vst.idx.msk $0xffff, v6  }
0x133: {  	[tilespmem:v3+s1+$0x1E10 ss:$0x1] =	vst.idx.msk $0xffff, v9;
	v9 =	vmul.f32 $3.200000000e+01, v7;
	v6 =	vld.idx.msk [tilespmem:v3+s11+$0x1270 ss:$0x1], $0xffff  }
.Ltmp0:
0x134: {  	v7 =	vmul.f32 $3.200000000e+01, v10;
	[tilespmem:v3+s11+$0xA50 ss:$0x1] =	vst.idx.msk $0xffff, v11;
	(pc) =	sbr.rel @p0 .LBB2_3-.Ltmp0, $4  }
0x135: {  	v10 =	vmul.f32 $3.200000000e+01, v14;
	v11 =	vld.idx.msk [tilespmem:v3+s1+$0xA20 ss:$0x1], $0xffff;
	[tilespmem:v3+s11+$0x1670 ss:$0x1] =	vst.idx.msk $0xffff, v12  }
0x136: {  	v13 =	vmul.f32 $3.200000000e+01, v17;
	v12 =	vld.idx.msk [tilespmem:v3+s11+$0xA60 ss:$0x1], $0xffff;
	[tilespmem:v3+s11+$0x1A70 ss:$0x1] =	vst.idx.msk $0xffff, v7  }
0x137: {  	v14 =	vmul.f32 $3.200000000e+01, v15;
	[tilespmem:v3+s1+$0x1630 ss:$0x1] =	vst.idx.msk $0xffff, v10;
	v10 =	vld.idx.msk [tilespmem:v3+s1+$0x1E20 ss:$0x1], $0xffff  }
0x138: {  	s12 =	sadd.s32 $0x80, s12;
	s13 =	smov.u32 s14;
	[tilespmem:v3+s1+$0x620 ss:$0x1] =	vst.idx.msk $0xffff, v13;
	v13 =	vmul.f32 $3.200000000e+01, v16;
	v7 =	vld.idx.msk [tilespmem:v3+s1+$0x1640 ss:$0x1], $0xffff  }
0x139: {  	_ =	sdelay $0x3  }
0x13a: {  	[tilespmem:v3+s11+$0x670 ss:$0x1] =	vst.idx.msk $0xffff, v14  }
0x13b: {  	[tilespmem:v3+s11+$0x1E60 ss:$0x1] =	vst.idx.msk $0xffff, v8;
	v11 =	vmul.f32 $3.200000000e+01, v11  }
0x13c: {  	[tilespmem:v3+s11+$0xE70 ss:$0x1] =	vst.idx.msk $0xffff, v9;
	v61 =	vmul.f32 $3.200000000e+01, v12  }
0x13d: {  	v60 =	vld.idx.msk [tilespmem:v3+s1+$0x630 ss:$0x1], $0xffff;
	[tilespmem:v3+s1+$0xA20 ss:$0x1] =	vst.idx.msk $0xffff, v11  }
0x13e: {  	v62 =	vld.idx.msk [tilespmem:v3+s11+$0x1E70 ss:$0x1], $0xffff;
	v10 =	vmul.f32 $3.200000000e+01, v10;
	[tilespmem:v3+s11+$0xA60 ss:$0x1] =	vst.idx.msk $0xffff, v61  }
0x13f: {  	v4 =	vmul.f32 $3.200000000e+01, v4;
	[tilespmem:v3+s1+$0xE30 ss:$0x1] =	vst.idx.msk $0xffff, v13;
	v8 =	vld.idx.msk [tilespmem:v3+s1+$0xA30 ss:$0x1], $0xffff  }
0x140: {  	v6 =	vmul.f32 $3.200000000e+01, v6;
	[tilespmem:v3+s1+$0x1E20 ss:$0x1] =	vst.idx.msk $0xffff, v10;
	v17 =	vld.idx.msk [tilespmem:v3+s11+$0xA70 ss:$0x1], $0xffff  }
0x141: {  	v5 =	vmul.f32 $3.200000000e+01, v5;
	[tilespmem:v3+s1+$0x1A30 ss:$0x1] =	vst.idx.msk $0xffff, v4;
	v63 =	vld.idx.msk [tilespmem:v3+s1+$0x1E30 ss:$0x1], $0xffff  }
0x142: {  	v18 =	vld.idx.msk [tilespmem:v3+s1+$0x240 ss:$0x1], $0xffff;
	[tilespmem:v3+s11+$0x1270 ss:$0x1] =	vst.idx.msk $0xffff, v6;
	v16 =	vmul.f32 $3.200000000e+01, v60  }
0x143: {  	[tilespmem:v3+s1+$0x1230 ss:$0x1] =	vst.idx.msk $0xffff, v5;
	v24 =	vld.idx.msk [tilespmem:v3+s1+$0xE40 ss:$0x1], $0xffff;
	v19 =	vmul.f32 $3.200000000e+01, v62  }
0x144: {  	v20 =	vld.idx.msk [tilespmem:v3+s1+$0x1A40 ss:$0x1], $0xffff;
	[tilespmem:v3+s1+$0x630 ss:$0x1] =	vst.idx.msk $0xffff, v16;
	v21 =	vmul.f32 $3.200000000e+01, v8  }
0x145: {  	v26 =	vld.idx.msk [tilespmem:v3+s1+$0x1240 ss:$0x1], $0xffff;
	[tilespmem:v3+s11+$0x1E70 ss:$0x1] =	vst.idx.msk $0xffff, v19;
	v4 =	vmul.f32 $3.200000000e+01, v17  }
0x146: {  	v23 =	vmul.f32 $3.200000000e+01, v63;
	[tilespmem:v3+s1+$0xA30 ss:$0x1] =	vst.idx.msk $0xffff, v21  }
0x147: {  	v25 =	vmul.f32 $3.200000000e+01, v18;
	v22 =	vld.idx.msk [tilespmem:v3+s1+$0x640 ss:$0x1], $0xffff;
	[tilespmem:v3+s11+$0xA70 ss:$0x1] =	vst.idx.msk $0xffff, v4  }
0x148: {  	v5 =	vmul.f32 $3.200000000e+01, v24;
	[tilespmem:v3+s1+$0x1E30 ss:$0x1] =	vst.idx.msk $0xffff, v23;
	v29 =	vld.idx.msk [tilespmem:v3+s1+$0xA40 ss:$0x1], $0xffff  }
0x149: {  	[tilespmem:v3+s1+$0x240 ss:$0x1] =	vst.idx.msk $0xffff, v25;
	v30 =	vmul.f32 $3.200000000e+01, v20;
	v28 =	vld.idx.msk [tilespmem:v3+s1+$0x1E40 ss:$0x1], $0xffff  }
0x14a: {  	v31 =	vld.idx.msk [tilespmem:v3+s1+$0x250 ss:$0x1], $0xffff;
	v33 =	vmul.f32 $3.200000000e+01, v26;
	[tilespmem:v3+s1+$0xE40 ss:$0x1] =	vst.idx.msk $0xffff, v5  }
0x14b: {  	v27 =	vmul.f32 $3.200000000e+01, v7;
	[tilespmem:v3+s1+$0x1A40 ss:$0x1] =	vst.idx.msk $0xffff, v30;
	v36 =	vld.idx.msk [tilespmem:v3+s1+$0xE50 ss:$0x1], $0xffff  }
0x14c: {  	[tilespmem:v3+s1+$0x1240 ss:$0x1] =	vst.idx.msk $0xffff, v33;
	v34 =	vld.idx.msk [tilespmem:v3+s1+$0x1A50 ss:$0x1], $0xffff;
	v8 =	vmul.f32 $3.200000000e+01, v22  }
0x14d: {  	[tilespmem:v3+s1+$0x1640 ss:$0x1] =	vst.idx.msk $0xffff, v27;
	v9 =	vld.idx.msk [tilespmem:v3+s1+$0x1250 ss:$0x1], $0xffff;
	v7 =	vmul.f32 $3.200000000e+01, v29  }
0x14e: {  	v32 =	vld.idx.msk [tilespmem:v3+s1+$0x1650 ss:$0x1], $0xffff;
	[tilespmem:v3+s1+$0x640 ss:$0x1] =	vst.idx.msk $0xffff, v8;
	v4 =	vmul.f32 $3.200000000e+01, v28  }
0x14f: {  	v6 =	vmul.f32 $3.200000000e+01, v31;
	v35 =	vld.idx.msk [tilespmem:v3+s1+$0x650 ss:$0x1], $0xffff;
	[tilespmem:v3+s1+$0xA40 ss:$0x1] =	vst.idx.msk $0xffff, v7  }
0x150: {  	v8 =	vmul.f32 $3.200000000e+01, v36;
	[tilespmem:v3+s1+$0x1E40 ss:$0x1] =	vst.idx.msk $0xffff, v4;
	v40 =	vld.idx.msk [tilespmem:v3+s1+$0xA50 ss:$0x1], $0xffff  }
0x151: {  	[tilespmem:v3+s1+$0x250 ss:$0x1] =	vst.idx.msk $0xffff, v6;
	v39 =	vmul.f32 $3.200000000e+01, v34;
	v38 =	vld.idx.msk [tilespmem:v3+s1+$0x1E50 ss:$0x1], $0xffff  }
0x152: {  	v41 =	vld.idx.msk [tilespmem:v3+s1+$0x260 ss:$0x1], $0xffff;
	v9 =	vmul.f32 $3.200000000e+01, v9;
	[tilespmem:v3+s1+$0xE50 ss:$0x1] =	vst.idx.msk $0xffff, v8  }
0x153: {  	v37 =	vmul.f32 $3.200000000e+01, v32;
	[tilespmem:v3+s1+$0x1A50 ss:$0x1] =	vst.idx.msk $0xffff, v39;
	v8 =	vld.idx.msk [tilespmem:v3+s1+$0xE60 ss:$0x1], $0xffff  }
0x154: {  	[tilespmem:v3+s1+$0x1250 ss:$0x1] =	vst.idx.msk $0xffff, v9;
	v43 =	vld.idx.msk [tilespmem:v3+s1+$0x1A60 ss:$0x1], $0xffff;
	v5 =	vmul.f32 $3.200000000e+01, v35  }
0x155: {  	[tilespmem:v3+s1+$0x1650 ss:$0x1] =	vst.idx.msk $0xffff, v37;
	v9 =	vld.idx.msk [tilespmem:v3+s1+$0x1260 ss:$0x1], $0xffff;
	v6 =	vmul.f32 $3.200000000e+01, v40  }
0x156: {  	v42 =	vld.idx.msk [tilespmem:v3+s1+$0x1660 ss:$0x1], $0xffff;
	[tilespmem:v3+s1+$0x650 ss:$0x1] =	vst.idx.msk $0xffff, v5;
	v7 =	vmul.f32 $3.200000000e+01, v38  }
0x157: {  	v4 =	vmul.f32 $3.200000000e+01, v41;
	v5 =	vld.idx.msk [tilespmem:v3+s1+$0x660 ss:$0x1], $0xffff;
	[tilespmem:v3+s1+$0xA50 ss:$0x1] =	vst.idx.msk $0xffff, v6  }
0x158: {  	v49 =	vmul.f32 $3.200000000e+01, v8;
	[tilespmem:v3+s1+$0x1E50 ss:$0x1] =	vst.idx.msk $0xffff, v7;
	v47 =	vld.idx.msk [tilespmem:v3+s1+$0xA60 ss:$0x1], $0xffff  }
0x159: {  	[tilespmem:v3+s1+$0x260 ss:$0x1] =	vst.idx.msk $0xffff, v4;
	v46 =	vmul.f32 $3.200000000e+01, v43;
	v45 =	vld.idx.msk [tilespmem:v3+s1+$0x1E60 ss:$0x1], $0xffff  }
0x15a: {  	v48 =	vld.idx.msk [tilespmem:v3+s1+$0x270 ss:$0x1], $0xffff;
	v50 =	vmul.f32 $3.200000000e+01, v9;
	[tilespmem:v3+s1+$0xE60 ss:$0x1] =	vst.idx.msk $0xffff, v49  }
0x15b: {  	v44 =	vmul.f32 $3.200000000e+01, v42;
	[tilespmem:v3+s1+$0x1A60 ss:$0x1] =	vst.idx.msk $0xffff, v46;
	v53 =	vld.idx.msk [tilespmem:v3+s1+$0xE70 ss:$0x1], $0xffff  }
0x15c: {  	[tilespmem:v3+s1+$0x1260 ss:$0x1] =	vst.idx.msk $0xffff, v50;
	v51 =	vld.idx.msk [tilespmem:v3+s1+$0x1A70 ss:$0x1], $0xffff;
	v5 =	vmul.f32 $3.200000000e+01, v5  }
0x15d: {  	[tilespmem:v3+s1+$0x1660 ss:$0x1] =	vst.idx.msk $0xffff, v44;
	v55 =	vld.idx.msk [tilespmem:v3+s1+$0x1270 ss:$0x1], $0xffff;
	v4 =	vmul.f32 $3.200000000e+01, v47  }
0x15e: {  	v7 =	vld.idx.msk [tilespmem:v3+s1+$0x1670 ss:$0x1], $0xffff;
	[tilespmem:v3+s1+$0x660 ss:$0x1] =	vst.idx.msk $0xffff, v5;
	v52 =	vmul.f32 $3.200000000e+01, v45  }
0x15f: {  	v54 =	vmul.f32 $3.200000000e+01, v48;
	v5 =	vld.idx.msk [tilespmem:v3+s1+$0x670 ss:$0x1], $0xffff;
	[tilespmem:v3+s1+$0xA60 ss:$0x1] =	vst.idx.msk $0xffff, v4  }
0x160: {  	v60 =	vmul.f32 $3.200000000e+01, v53;
	[tilespmem:v3+s1+$0x1E60 ss:$0x1] =	vst.idx.msk $0xffff, v52;
	v59 =	vld.idx.msk [tilespmem:v3+s1+$0xA70 ss:$0x1], $0xffff  }
0x161: {  	[tilespmem:v3+s1+$0x270 ss:$0x1] =	vst.idx.msk $0xffff, v54;
	v58 =	vmul.f32 $3.200000000e+01, v51;
	v57 =	vld.idx.msk [tilespmem:v3+s1+$0x1E70 ss:$0x1], $0xffff  }
0x162: {  	v61 =	vmul.f32 $3.200000000e+01, v55;
	[tilespmem:v3+s1+$0xE70 ss:$0x1] =	vst.idx.msk $0xffff, v60  }
0x163: {  	s16 =	sshll.u32 s30, $0xB;
	s30 =	sadd.s32 $0x1, s30;
	v56 =	vmul.f32 $3.200000000e+01, v7;
	[tilespmem:v3+s1+$0x1A70 ss:$0x1] =	vst.idx.msk $0xffff, v58  }
0x164: {  	p0 =	sne.s32 s30, $0x20;
	[tilespmem:v3+s1+$0x1270 ss:$0x1] =	vst.idx.msk $0xffff, v61;
	v5 =	vmul.f32 $3.200000000e+01, v5  }
.Ltmp1:
0x165: {  	[tilespmem:v3+s1+$0x1670 ss:$0x1] =	vst.idx.msk $0xffff, v56;
	v63 =	vmul.f32 $3.200000000e+01, v59;
	(pc) =	sbr.rel @p0 .LBB2_2-.Ltmp1, $4  }
0x166: {  	[tilespmem:v3+s1+$0x670 ss:$0x1] =	vst.idx.msk $0xffff, v5;
	v62 =	vmul.f32 $3.200000000e+01, v57  }
0x167: {  	[tilespmem:v3+s1+$0xA70 ss:$0x1] =	vst.idx.msk $0xffff, v63  }
0x168: {  	s0 =	sadd.s32 $0x200, s0;
	s31 =	sadd.s32 $0x8, s31;
	s11 =	sadd.s32 s16, s8;
	[tilespmem:v3+s1+$0x1E70 ss:$0x1] =	vst.idx.msk $0xffff, v62  }
0x169: {  	[hbm4b:s11+s3] =	stream.linear.scatter [tilespmem:s0], [sflag:s31], $0x4000, $0x38;
	[tilespmem:$0x1C200] =	vst v63  }
0x16a: {  	_ =	swait.ge [sflag:s21], $0x4000  }
0x16b: {  	[sflag:s21] =	ssyncset.done $0x0  }
0x16c: {  	[sflag:s21] =	ssyncadd.s32 $0xFFFFC000  }
0x16d: {  	_ =	swait.ge [sflag:s22], $0x4000  }
0x16e: {  	[sflag:s22] =	ssyncset.done $0x0  }
0x16f: {  	[sflag:s22] =	ssyncadd.s32 $0xFFFFC000  }
0x170: {  	_ =	swait.ge [sflag:s23], $0x4000  }
0x171: {  	[sflag:s23] =	ssyncset.done $0x0  }
0x172: {  	[sflag:s23] =	ssyncadd.s32 $0xFFFFC000  }
0x173: {  	_ =	swait.ge [sflag:s24], $0x4000  }
0x174: {  	[sflag:s24] =	ssyncset.done $0x0  }
0x175: {  	[sflag:s24] =	ssyncadd.s32 $0xFFFFC000  }
0x176: {  	_ =	swait.ge [sflag:s25], $0x4000  }
0x177: {  	[sflag:s25] =	ssyncset.done $0x0  }
0x178: {  	s29 =	sadd.s32 $0x1, s29;
	[sflag:s25] =	ssyncadd.s32 $0xFFFFC000  }
0x179: {  	p0 =	sne.s32 s29, s9;
	_ =	swait.ge [sflag:s26], $0x4000  }
.Ltmp2:
0x17a: {  	[sflag:s26] =	ssyncset.done $0x0;
	(pc) =	sbr.rel @p0 .LBB2_1-.Ltmp2, $4  }
0x17b: {  	[sflag:s26] =	ssyncadd.s32 $0xFFFFC000  }
0x17c: {  	_ =	swait.ge [sflag:s28], $0x4000  }
0x17d: {  	[sflag:s28] =	ssyncset.done $0x0  }
0x17e: {  	[sflag:s28] =	ssyncadd.s32 $0xFFFFC000  }
0x17f: {  	_ =	sfence.sel $0x180000  }
0x180: {  	[bflag:$0x0] =	sbarrier.arrive $0xFFFF  }
0x181: {  	_ =	strace $0x90000047  }
0x182: {  	s0 =	stileid.u32;
	[bflag:$0x2] =	sbarrier.arrive $0xFFFF  }
0x183: {  	p0 =	sne.s32 s0, $0x0;
	s0 =	rddreg [dreg:$0x3]  }
0x184: {  	s0 =	sadd.s32 @!p0 $0x100000, s0  }
0x185: {  	[sflag:s0] =	ssyncadd.tile.s32 @!p0 $0x1;
	_ =	shalt  }
.Lfunc_end2:
_tile_overlayer_lowered:
.L_overlay_start_2:
0x186: {  	(tag) =	ssettag $0x2  }
0x187: {  	s0 =	rddreg [dreg:$0x0];
	s2 =	stileid.u32  }
0x188: {  	s1 =	rddreg [dreg:$0x1];
	p0 =	sne.s32 s2, $0x0  }
0x189: {  	s3 =	rddreg [dreg:$0x2];
	[bflag:$0x3] =	sbarrier.arrive $0xFFFF;
	s2 =	simm.s32 @!p0 $0x1C0F  }
0x18a: {  	[timem:s3], [sflag:s2] =	dma.local @!p0 [hbm:s0], s1  }
0x18b: {  	s0 =	simm.s32 @!p0 $0xF  }
0x18c: {  	_ =	swait.ge @!p0 [sflag:s0], s1  }
0x18d: {  	s1 =	ssub.s32 @!p0 $0x0, s1;
	[sflag:s0] =	ssyncset.done @!p0 $0x0  }
0x18e: {  	[sflag:s0] =	ssyncadd.s32 @!p0 s1  }
0x18f: {  	[bflag:$0x3] =	sbarrier.arrive $0xFFFF  }
0x190: {  	_ =	shalt  }

</sc_bundles>
